<compile_context>
chip_gen: v7x
topology: tpu7x:2x2x1
jax: 0.10.2.dev20260603
libtpu: 0.0.44.dev20260713+nightly
codegen_flags: <defaults>
</compile_context>

<pallas_src>
import functools

import jax
import jax.numpy as jnp
from jax import lax
from jax.experimental import pallas as pl
from jax.experimental.pallas import tpu as pltpu
from jax.experimental.pallas import tpu_sc as plsc

N_E = 10000
N_P = 10000
E = 320000
D = 128
C = 16
N_SEEDS = 160

NC = 2
NS = 16
NW = NC * NS
CHUNK = 125
N_CHUNKS = 80
EDGES_PER_TILE = E // NW


@functools.cache
def _make_seg_sum(n_seg, with_seeds):
  mesh = plsc.VectorSubcoreMesh(core_axis_name="c", subcore_axis_name="s")
  out_type = [jax.ShapeDtypeStruct((NC, n_seg, D), jnp.float32)]
  if with_seeds:
    out_type.append(jax.ShapeDtypeStruct((N_SEEDS, D), jnp.float32))
  rows_a = 632
  rows_b = n_seg - (NS - 1) * rows_a

  @functools.partial(
      pl.kernel,
      mesh=mesh,
      out_type=tuple(out_type),
      scratch_types=[
          pltpu.VMEM((N_CHUNKS, CHUNK), jnp.int32),
          pltpu.VMEM((N_CHUNKS, CHUNK), jnp.int32),
          pltpu.VMEM((CHUNK, D), jnp.float32),
          pltpu.VMEM_SHARED((n_seg, D), jnp.float32),
          pltpu.SemaphoreType.DMA,
      ],
  )
  def seg_sum(*refs):
    if with_seeds:
      (vals_hbm, sidx_hbm, didx_hbm, zeros_hbm, seeds_hbm,
       out_hbm, seed_out_hbm, S, I, rows, acc, sem) = refs
    else:
      (vals_hbm, sidx_hbm, didx_hbm, zeros_hbm,
       out_hbm, S, I, rows, acc, sem) = refs
    cid = lax.axis_index("c")
    sid = lax.axis_index("s")
    wid = cid * NS + sid
    r0 = pl.multiple_of(sid * rows_a, 8)

    pltpu.async_copy(sidx_hbm.at[wid, pl.ds(0, N_CHUNKS)], S, sem)
    pltpu.async_copy(didx_hbm.at[wid, pl.ds(0, N_CHUNKS)], I, sem)

    @pl.when(sid < NS - 1)
    def _zero_a():
      pltpu.sync_copy(zeros_hbm.at[pl.ds(r0, rows_a)],
                      acc.at[pl.ds(r0, rows_a)])

    @pl.when(sid == NS - 1)
    def _zero_b():
      pltpu.sync_copy(zeros_hbm.at[pl.ds(r0, rows_b)],
                      acc.at[pl.ds(r0, rows_b)])

    pltpu.make_async_copy(sidx_hbm.at[wid, pl.ds(0, N_CHUNKS)], S, sem).wait()
    pltpu.make_async_copy(didx_hbm.at[wid, pl.ds(0, N_CHUNKS)], I, sem).wait()
    plsc.subcore_barrier()

    def chunk_body(j, carry):
      pltpu.async_copy(vals_hbm.at[S.at[j]], rows, sem).wait()
      pltpu.sync_copy(rows, acc.at[I.at[j]], add=True)
      return carry

    lax.fori_loop(0, N_CHUNKS, chunk_body, 0)

    if with_seeds:
      @pl.when(wid < 2)
      def _gather_seeds():
        off = pl.multiple_of(wid * (N_SEEDS // 2), 8)
        pltpu.sync_copy(seeds_hbm.at[pl.ds(off, 80)], S.at[0, pl.ds(0, 80)])
        pltpu.async_copy(vals_hbm.at[S.at[0, pl.ds(0, 80)]],
                         rows.at[pl.ds(0, 80)], sem).wait()
        pltpu.sync_copy(rows.at[pl.ds(0, 80)],
                        seed_out_hbm.at[pl.ds(off, 80)])

    plsc.subcore_barrier()

    @pl.when(sid < NS - 1)
    def _write_a():
      pltpu.sync_copy(acc.at[pl.ds(r0, rows_a)],
                      out_hbm.at[cid, pl.ds(r0, rows_a)])

    @pl.when(sid == NS - 1)
    def _write_b():
      pltpu.sync_copy(acc.at[pl.ds(r0, rows_b)],
                      out_hbm.at[cid, pl.ds(r0, rows_b)])

  return seg_sum


_BLK = 1000


def _dense_pattern(parts, W, b):
  n = parts.shape[1]

  def body(p0_ref, p1_ref, w_ref, b_ref, o_ref):
    s = p0_ref[0] + p1_ref[0]
    y = jnp.dot(s, w_ref[...], preferred_element_type=jnp.float32,
                precision=lax.Precision.DEFAULT)
    o_ref[...] = jnp.maximum(y + b_ref[...], 0.0)

  return pl.pallas_call(
      body,
      grid=(n // _BLK,),
      in_specs=[
          pl.BlockSpec((1, _BLK, D), lambda i: (0, i, 0)),
          pl.BlockSpec((1, _BLK, D), lambda i: (1, i, 0)),
          pl.BlockSpec((D, D), lambda i: (0, 0)),
          pl.BlockSpec((1, D), lambda i: (0, 0)),
      ],
      out_specs=pl.BlockSpec((_BLK, D), lambda i: (i, 0)),
      out_shape=jax.ShapeDtypeStruct((n, D), jnp.float32),
  )(parts, parts, W, b.reshape(1, D))


def _dense_entity(parts, seed_rows, W_e, b_e, W_g):
  n = parts.shape[1]

  def body(e0_ref, e1_ref, sr_ref, we_ref, be_ref, wg_ref, o_ref):
    g = jnp.sum(sr_ref[...], axis=0, keepdims=True) * (1.0 / N_SEEDS)
    gw = jnp.dot(g, wg_ref[...], preferred_element_type=jnp.float32,
                 precision=lax.Precision.DEFAULT)
    s = e0_ref[0] + e1_ref[0]
    y = jnp.dot(s, we_ref[...], preferred_element_type=jnp.float32,
                precision=lax.Precision.DEFAULT)
    o_ref[...] = jnp.maximum(y + gw + be_ref[...], 0.0)

  return pl.pallas_call(
      body,
      grid=(n // _BLK,),
      in_specs=[
          pl.BlockSpec((1, _BLK, D), lambda i: (0, i, 0)),
          pl.BlockSpec((1, _BLK, D), lambda i: (1, i, 0)),
          pl.BlockSpec((N_SEEDS, D), lambda i: (0, 0)),
          pl.BlockSpec((D, D), lambda i: (0, 0)),
          pl.BlockSpec((1, D), lambda i: (0, 0)),
          pl.BlockSpec((D, D), lambda i: (0, 0)),
      ],
      out_specs=pl.BlockSpec((_BLK, D), lambda i: (i, 0)),
      out_shape=jax.ShapeDtypeStruct((n, D), jnp.float32),
  )(parts, parts, seed_rows, W_e, b_e.reshape(1, D), W_g)


def _dense_entity_fc(parts, seed_rows, W_e, b_e, W_g, W_fc, b_fc):
  n = parts.shape[1]

  def body(e0_ref, e1_ref, sr_ref, we_ref, be_ref, wg_ref, wfc_ref, bfc_ref,
           es_ref, out_ref):
    g = jnp.sum(sr_ref[...], axis=0, keepdims=True) * (1.0 / N_SEEDS)
    gw = jnp.dot(g, wg_ref[...], preferred_element_type=jnp.float32,
                 precision=lax.Precision.DEFAULT)
    s = e0_ref[0] + e1_ref[0]
    y = jnp.dot(s, we_ref[...], preferred_element_type=jnp.float32,
                precision=lax.Precision.DEFAULT)
    es = jnp.maximum(y + gw + be_ref[...], 0.0)
    es_ref[...] = es
    out_ref[...] = jnp.dot(es, wfc_ref[...], preferred_element_type=jnp.float32,
                           precision=lax.Precision.DEFAULT) + bfc_ref[...]

  return pl.pallas_call(
      body,
      grid=(n // _BLK,),
      in_specs=[
          pl.BlockSpec((1, _BLK, D), lambda i: (0, i, 0)),
          pl.BlockSpec((1, _BLK, D), lambda i: (1, i, 0)),
          pl.BlockSpec((N_SEEDS, D), lambda i: (0, 0)),
          pl.BlockSpec((D, D), lambda i: (0, 0)),
          pl.BlockSpec((1, D), lambda i: (0, 0)),
          pl.BlockSpec((D, D), lambda i: (0, 0)),
          pl.BlockSpec((D, C), lambda i: (0, 0)),
          pl.BlockSpec((1, C), lambda i: (0, 0)),
      ],
      out_specs=[
          pl.BlockSpec((_BLK, D), lambda i: (i, 0)),
          pl.BlockSpec((_BLK, C), lambda i: (i, 0)),
      ],
      out_shape=[
          jax.ShapeDtypeStruct((n, D), jnp.float32),
          jax.ShapeDtypeStruct((n, C), jnp.float32),
      ],
  )(parts, parts, seed_rows, W_e, b_e.reshape(1, D), W_g, W_fc, b_fc.reshape(1, C))


def kernel(seeds, es, ps, ep_adj, pe_adj, W_p1, b_p1, W_e1, b_e1, W_g1,
           W_p2, b_p2, W_e2, b_e2, W_g2, W_fc, b_fc):
  del ps
  def _pack(idx):
    return idx.reshape(NW, N_CHUNKS, CHUNK)

  pe_dst = _pack(pe_adj[0])
  pe_src = _pack(pe_adj[1])
  ep_dst = _pack(ep_adj[0])
  ep_src = _pack(ep_adj[1])
  zeros = jnp.zeros((N_P, D), jnp.float32)

  seg_seed = _make_seg_sum(N_P, True)
  seg_plain = _make_seg_sum(N_E, False)

  p_parts, seed1 = seg_seed(es, pe_src, pe_dst, zeros, seeds)
  ps1 = _dense_pattern(p_parts, W_p1, b_p1)
  (e_parts,) = seg_plain(ps1, ep_src, ep_dst, zeros)
  es1 = _dense_entity(e_parts, seed1, W_e1, b_e1, W_g1)

  p_parts2, seed2 = seg_seed(es1, pe_src, pe_dst, zeros, seeds)
  ps2 = _dense_pattern(p_parts2, W_p2, b_p2)
  (e_parts2,) = seg_plain(ps2, ep_src, ep_dst, zeros)
  es2, out = _dense_entity_fc(e_parts2, seed2, W_e2, b_e2, W_g2, W_fc, b_fc)
  return (out, es2, ps2)

# --- scband reference (transcript-rebuilt; emitter-appended) ---
"""Pipeline reference for scband-boot-teacher-721554506540 (READ-ONLY COPY).

The authoritative reference and input builder live on the scoring server;
editing this copy changes nothing except your own understanding.
"""

import jax, jax.numpy as jnp
import numpy as np

N_E = 10000
N_P = 10000
E = 320000
D = 128
C = 16
N_SEEDS = 160


def setup_inputs(seed: int = 0) -> dict:
    key = jax.random.key(seed)
    ks = jax.random.split(key, 16)
    s = 1.0 / np.sqrt(D)
    inp = {}
    inp['seeds'] = jax.random.randint(ks[0], (N_SEEDS,), 0, N_E, dtype=jnp.int32)
    inp['es'] = jax.random.normal(ks[1], (N_E, D), dtype=jnp.float32)
    inp['ps'] = jax.random.normal(ks[2], (N_P, D), dtype=jnp.float32)
    inp['ep_adj'] = jax.random.randint(ks[3], (2, E), 0, N_E, dtype=jnp.int32)
    inp['pe_adj'] = jax.random.randint(ks[4], (2, E), 0, N_P, dtype=jnp.int32)
    inp['W_p1'] = (jax.random.normal(ks[5], (D, D)) * s).astype(jnp.float32)
    inp['b_p1'] = jnp.zeros((D,), dtype=jnp.float32)
    inp['W_e1'] = (jax.random.normal(ks[6], (D, D)) * s).astype(jnp.float32)
    inp['b_e1'] = jnp.zeros((D,), dtype=jnp.float32)
    inp['W_g1'] = (jax.random.normal(ks[7], (D, D)) * s).astype(jnp.float32)
    inp['W_p2'] = (jax.random.normal(ks[8], (D, D)) * s).astype(jnp.float32)
    inp['b_p2'] = jnp.zeros((D,), dtype=jnp.float32)
    inp['W_e2'] = (jax.random.normal(ks[9], (D, D)) * s).astype(jnp.float32)
    inp['b_e2'] = jnp.zeros((D,), dtype=jnp.float32)
    inp['W_g2'] = (jax.random.normal(ks[10], (D, D)) * s).astype(jnp.float32)
    inp['W_fc'] = (jax.random.normal(ks[11], (D, C)) * s).astype(jnp.float32)
    inp['b_fc'] = jnp.zeros((C,), dtype=jnp.float32)
    return inp


def _layer(seed_idx, es, ps, ep, pe, W_p, b_p, W_e, b_e, W_g):
    # seeds re-gathered from the current entity embeddings (global context)
    seed_feats = es[seed_idx]
    # pattern update: aggregate entity messages along pe_adj (sparse mm with unit weights)
    agg_p = jax.ops.segment_sum(es[pe[1]], pe[0], num_segments=N_P)
    ps_new = jax.nn.relu(agg_p @ W_p + b_p)
    # entity update: aggregate pattern messages along ep_adj + global seed term
    agg_e = jax.ops.segment_sum(ps_new[ep[1]], ep[0], num_segments=N_E)
    g = seed_feats.mean(axis=0)
    es_new = jax.nn.relu(agg_e @ W_e + g @ W_g + b_e)
    return es_new, ps_new


def reference(seeds, es, ps, ep_adj, pe_adj, W_p1, b_p1, W_e1, b_e1, W_g1, W_p2, b_p2, W_e2, b_e2, W_g2, W_fc, b_fc):
    # BootGCN: 2 bipartite message-passing layers over entity/pattern graph
    es1, ps1 = _layer(seeds, es, ps, ep_adj, pe_adj, W_p1, b_p1, W_e1, b_e1, W_g1)
    es2, ps2 = _layer(seeds, es1, ps1, ep_adj, pe_adj, W_p2, b_p2, W_e2, b_e2, W_g2)
    # BootClassifier (dropout is identity in eval mode)
    out = es2 @ W_fc + b_fc
    return (out, es2, ps2)

if __name__ == "__main__":
    import jax
    _d = setup_inputs()
    print(jax.jit(kernel)(*tuple(_d.values())))

</pallas_src>

<mosaic_0001>
#map = affine_map<(d0, d1) -> (0, 0)>
#map1 = affine_map<(d0, d1) -> (0, 0, 0)>
#map2 = affine_map<(d0, d1) -> (0)>
module attributes {stable_mosaic.version = 14 : i64} {
  func.func @seg_sum(%arg0: i32, %arg1: i32, %arg2: memref<10000x128xf32, #tpu.memory_space<hbm>>, %arg3: memref<32x80x125xi32, #tpu.memory_space<hbm>>, %arg4: memref<32x80x125xi32, #tpu.memory_space<hbm>>, %arg5: memref<10000x128xf32, #tpu.memory_space<hbm>>, %arg6: memref<160xi32, #tpu.memory_space<hbm>>, %arg7: memref<2x10000x128xf32, #tpu.memory_space<hbm>>, %arg8: memref<160x128xf32, #tpu.memory_space<hbm>>, %arg9: memref<80x125xi32, #tpu.memory_space<vmem>>, %arg10: memref<80x125xi32, #tpu.memory_space<vmem>>, %arg11: memref<125x128xf32, #tpu.memory_space<vmem>>, %arg12: memref<10000x128xf32, #tpu.memory_space<vmem_shared>>, %arg13: memref<!tpu.dma_semaphore, #tpu.memory_space<semaphore_mem>>) attributes {dimension_semantics = [#tpu.dimension_semantics<core_parallel>, #tpu.dimension_semantics<subcore_parallel>], iteration_bounds = array<i64: 2, 16>, scalar_prefetch = 0 : i64, scratch_operands = 5 : i64, tpu.core_type = #tpu.core_type<sc_vector_subcore>, window_params = [{transform_indices = #map}, {transform_indices = #map1}, {transform_indices = #map1}, {transform_indices = #map}, {transform_indices = #map2}, {transform_indices = #map1}, {transform_indices = #map}]} {
    %mul3A = arith.constant 16 : i32
    %mul3A_0 = arith.muli %arg0, %mul3A : i32
    %add3A = arith.addi %mul3A_0, %arg1 : i32
    %mul3A_1 = arith.constant 632 : i32
    %mul3A_2 = arith.muli %arg1, %mul3A_1 : i32
    %multiple_of3A = tpu.assume_multiple %mul3A_2, 8 : i32
    %dma_start3A = arith.constant 0 : i32
    %dma_start3A_3 = arith.constant 0 : i32
    %dma_start3A_4 = tpu.memref_slice %arg3[%add3A, %dma_start3A, %dma_start3A_3] : memref<32x80x125xi32, #tpu.memory_space<hbm>> -> memref<1x80x125xi32, #tpu.memory_space<hbm>>
    %dma_start3A_5 = tpu.memref_squeeze %dma_start3A_4 : memref<1x80x125xi32, #tpu.memory_space<hbm>> -> memref<80x125xi32, #tpu.memory_space<hbm>>
    %dma_start3A_6 = arith.constant 0 : i32
    %dma_start3A_7 = arith.constant 0 : i32
    %dma_start3A_8 = tpu.memref_slice %arg3[%add3A, %dma_start3A_6, %dma_start3A_7] : memref<32x80x125xi32, #tpu.memory_space<hbm>> -> memref<1x80x125xi32, #tpu.memory_space<hbm>>
    %dma_start3A_9 = tpu.memref_squeeze %dma_start3A_8 : memref<1x80x125xi32, #tpu.memory_space<hbm>> -> memref<80x125xi32, #tpu.memory_space<hbm>>
    tpu.enqueue_dma source(%dma_start3A_9 : memref<80x125xi32, #tpu.memory_space<hbm>>) target(%arg9 : memref<80x125xi32, #tpu.memory_space<vmem>>) target_semaphore(%arg13 : memref<!tpu.dma_semaphore, #tpu.memory_space<semaphore_mem>>)
    %dma_start3A_10 = arith.constant 0 : i32
    %dma_start3A_11 = arith.constant 0 : i32
    %dma_start3A_12 = tpu.memref_slice %arg4[%add3A, %dma_start3A_10, %dma_start3A_11] : memref<32x80x125xi32, #tpu.memory_space<hbm>> -> memref<1x80x125xi32, #tpu.memory_space<hbm>>
    %dma_start3A_13 = tpu.memref_squeeze %dma_start3A_12 : memref<1x80x125xi32, #tpu.memory_space<hbm>> -> memref<80x125xi32, #tpu.memory_space<hbm>>
    %dma_start3A_14 = arith.constant 0 : i32
    %dma_start3A_15 = arith.constant 0 : i32
    %dma_start3A_16 = tpu.memref_slice %arg4[%add3A, %dma_start3A_14, %dma_start3A_15] : memref<32x80x125xi32, #tpu.memory_space<hbm>> -> memref<1x80x125xi32, #tpu.memory_space<hbm>>
    %dma_start3A_17 = tpu.memref_squeeze %dma_start3A_16 : memref<1x80x125xi32, #tpu.memory_space<hbm>> -> memref<80x125xi32, #tpu.memory_space<hbm>>
    tpu.enqueue_dma source(%dma_start3A_17 : memref<80x125xi32, #tpu.memory_space<hbm>>) target(%arg10 : memref<80x125xi32, #tpu.memory_space<vmem>>) target_semaphore(%arg13 : memref<!tpu.dma_semaphore, #tpu.memory_space<semaphore_mem>>)
    %lt3A = arith.constant 15 : i32
    %lt3A_18 = arith.cmpi slt, %arg1, %lt3A : i32
    %convert_element_type3A = arith.extui %lt3A_18 : i1 to i32
    %cond3A = arith.constant 0 : i32
    %cond3A_19 = arith.cmpi ne, %convert_element_type3A, %cond3A : i32
    scf.if %cond3A_19 {
      "tpu.region"() ({
        %run_scoped3A = tpu.sem_alloc : memref<!tpu.dma_semaphore, #tpu.memory_space<semaphore_mem>>
        %dma_start3A_60 = arith.constant 0 : i32
        %dma_start3A_61 = tpu.memref_slice %arg12[%multiple_of3A, %dma_start3A_60] : memref<10000x128xf32, #tpu.memory_space<vmem_shared>> -> memref<632x128xf32, #tpu.memory_space<vmem_shared>>
        %dma_start3A_62 = arith.constant 0 : i32
        %dma_start3A_63 = tpu.memref_slice %arg5[%multiple_of3A, %dma_start3A_62] : memref<10000x128xf32, #tpu.memory_space<hbm>> -> memref<632x128xf32, #tpu.memory_space<hbm>>
        tpu.enqueue_dma source(%dma_start3A_63 : memref<632x128xf32, #tpu.memory_space<hbm>>) target(%dma_start3A_61 : memref<632x128xf32, #tpu.memory_space<vmem_shared>>) target_semaphore(%run_scoped3A : memref<!tpu.dma_semaphore, #tpu.memory_space<semaphore_mem>>)
        %dma_wait3A_64 = arith.constant 0 : i32
        %dma_wait3A_65 = tpu.memref_slice %arg12[%multiple_of3A, %dma_wait3A_64] : memref<10000x128xf32, #tpu.memory_space<vmem_shared>> -> memref<632x128xf32, #tpu.memory_space<vmem_shared>>
        %dma_wait3A_66 = arith.constant 0 : i32
        %dma_wait3A_67 = tpu.memref_slice %arg5[%multiple_of3A, %dma_wait3A_66] : memref<10000x128xf32, #tpu.memory_space<hbm>> -> memref<632x128xf32, #tpu.memory_space<hbm>>
        tpu.wait_dma2 semaphore(%run_scoped3A : memref<!tpu.dma_semaphore, #tpu.memory_space<semaphore_mem>>) src(%dma_wait3A_67 : memref<632x128xf32, #tpu.memory_space<hbm>>) dst(%dma_wait3A_65 : memref<632x128xf32, #tpu.memory_space<vmem_shared>>)
        tpu.yield
      }) : () -> ()
    } else {
    }
    %eq3A = arith.constant 15 : i32
    %eq3A_20 = arith.cmpi eq, %arg1, %eq3A : i32
    %convert_element_type3A_21 = arith.extui %eq3A_20 : i1 to i32
    %cond3A_22 = arith.constant 0 : i32
    %cond3A_23 = arith.cmpi ne, %convert_element_type3A_21, %cond3A_22 : i32
    scf.if %cond3A_23 {
      "tpu.region"() ({
        %run_scoped3A = tpu.sem_alloc : memref<!tpu.dma_semaphore, #tpu.memory_space<semaphore_mem>>
        %dma_start3A_60 = arith.constant 0 : i32
        %dma_start3A_61 = tpu.memref_slice %arg12[%multiple_of3A, %dma_start3A_60] : memref<10000x128xf32, #tpu.memory_space<vmem_shared>> -> memref<520x128xf32, #tpu.memory_space<vmem_shared>>
        %dma_start3A_62 = arith.constant 0 : i32
        %dma_start3A_63 = tpu.memref_slice %arg5[%multiple_of3A, %dma_start3A_62] : memref<10000x128xf32, #tpu.memory_space<hbm>> -> memref<520x128xf32, #tpu.memory_space<hbm>>
        tpu.enqueue_dma source(%dma_start3A_63 : memref<520x128xf32, #tpu.memory_space<hbm>>) target(%dma_start3A_61 : memref<520x128xf32, #tpu.memory_space<vmem_shared>>) target_semaphore(%run_scoped3A : memref<!tpu.dma_semaphore, #tpu.memory_space<semaphore_mem>>)
        %dma_wait3A_64 = arith.constant 0 : i32
        %dma_wait3A_65 = tpu.memref_slice %arg12[%multiple_of3A, %dma_wait3A_64] : memref<10000x128xf32, #tpu.memory_space<vmem_shared>> -> memref<520x128xf32, #tpu.memory_space<vmem_shared>>
        %dma_wait3A_66 = arith.constant 0 : i32
        %dma_wait3A_67 = tpu.memref_slice %arg5[%multiple_of3A, %dma_wait3A_66] : memref<10000x128xf32, #tpu.memory_space<hbm>> -> memref<520x128xf32, #tpu.memory_space<hbm>>
        tpu.wait_dma2 semaphore(%run_scoped3A : memref<!tpu.dma_semaphore, #tpu.memory_space<semaphore_mem>>) src(%dma_wait3A_67 : memref<520x128xf32, #tpu.memory_space<hbm>>) dst(%dma_wait3A_65 : memref<520x128xf32, #tpu.memory_space<vmem_shared>>)
        tpu.yield
      }) : () -> ()
    } else {
    }
    %dma_wait3A = arith.constant 0 : i32
    %dma_wait3A_24 = arith.constant 0 : i32
    %dma_wait3A_25 = tpu.memref_slice %arg3[%add3A, %dma_wait3A, %dma_wait3A_24] : memref<32x80x125xi32, #tpu.memory_space<hbm>> -> memref<1x80x125xi32, #tpu.memory_space<hbm>>
    %dma_wait3A_26 = tpu.memref_squeeze %dma_wait3A_25 : memref<1x80x125xi32, #tpu.memory_space<hbm>> -> memref<80x125xi32, #tpu.memory_space<hbm>>
    %dma_wait3A_27 = arith.constant 0 : i32
    %dma_wait3A_28 = arith.constant 0 : i32
    %dma_wait3A_29 = tpu.memref_slice %arg3[%add3A, %dma_wait3A_27, %dma_wait3A_28] : memref<32x80x125xi32, #tpu.memory_space<hbm>> -> memref<1x80x125xi32, #tpu.memory_space<hbm>>
    %dma_wait3A_30 = tpu.memref_squeeze %dma_wait3A_29 : memref<1x80x125xi32, #tpu.memory_space<hbm>> -> memref<80x125xi32, #tpu.memory_space<hbm>>
    tpu.wait_dma2 semaphore(%arg13 : memref<!tpu.dma_semaphore, #tpu.memory_space<semaphore_mem>>) src(%dma_wait3A_30 : memref<80x125xi32, #tpu.memory_space<hbm>>) dst(%arg9 : memref<80x125xi32, #tpu.memory_space<vmem>>)
    %dma_wait3A_31 = arith.constant 0 : i32
    %dma_wait3A_32 = arith.constant 0 : i32
    %dma_wait3A_33 = tpu.memref_slice %arg4[%add3A, %dma_wait3A_31, %dma_wait3A_32] : memref<32x80x125xi32, #tpu.memory_space<hbm>> -> memref<1x80x125xi32, #tpu.memory_space<hbm>>
    %dma_wait3A_34 = tpu.memref_squeeze %dma_wait3A_33 : memref<1x80x125xi32, #tpu.memory_space<hbm>> -> memref<80x125xi32, #tpu.memory_space<hbm>>
    %dma_wait3A_35 = arith.constant 0 : i32
    %dma_wait3A_36 = arith.constant 0 : i32
    %dma_wait3A_37 = tpu.memref_slice %arg4[%add3A, %dma_wait3A_35, %dma_wait3A_36] : memref<32x80x125xi32, #tpu.memory_space<hbm>> -> memref<1x80x125xi32, #tpu.memory_space<hbm>>
    %dma_wait3A_38 = tpu.memref_squeeze %dma_wait3A_37 : memref<1x80x125xi32, #tpu.memory_space<hbm>> -> memref<80x125xi32, #tpu.memory_space<hbm>>
    tpu.wait_dma2 semaphore(%arg13 : memref<!tpu.dma_semaphore, #tpu.memory_space<semaphore_mem>>) src(%dma_wait3A_38 : memref<80x125xi32, #tpu.memory_space<hbm>>) dst(%arg10 : memref<80x125xi32, #tpu.memory_space<vmem>>)
    %barrier3A = arith.constant 0 : index
    tpu.barrier barrier_id(%barrier3A)
    %scan3A = arith.constant 0 : i32
    %scan3A_39 = arith.constant 0 : i32
    %scan3A_40 = arith.constant 80 : i32
    %scan3A_41 = arith.addi %scan3A_39, %scan3A_40 : i32
    %scan3A_42 = arith.constant 1 : i32
    scf.for %scan3A_60 = %scan3A_39 to %scan3A_41 step %scan3A_42  : i32 {
      %dma_start3A_61 = arith.constant 0 : i32
      %dma_start3A_62 = tpu.memref_slice %arg9[%scan3A_60, %dma_start3A_61] : memref<80x125xi32, #tpu.memory_space<vmem>> -> memref<1x125xi32, #tpu.memory_space<vmem>>
      %dma_start3A_63 = tpu.memref_squeeze %dma_start3A_62 : memref<1x125xi32, #tpu.memory_space<vmem>> -> memref<125xi32, #tpu.memory_space<vmem>>
      %dma_start3A_64 = arith.constant 0 : i32
      %dma_start3A_65 = arith.constant 0 : i32
      %dma_start3A_66 = tpu.memref_slice %arg2[%dma_start3A_64, %dma_start3A_65] : memref<10000x128xf32, #tpu.memory_space<hbm>> -> memref<10000x128xf32, #tpu.memory_space<hbm>>
      tpu.enqueue_indirect_dma source(%dma_start3A_66 : memref<10000x128xf32, #tpu.memory_space<hbm>>) target(%arg11 : memref<125x128xf32, #tpu.memory_space<vmem>>) offsets(%dma_start3A_63 : memref<125xi32, #tpu.memory_space<vmem>>) semaphore(%arg13 : memref<!tpu.dma_semaphore, #tpu.memory_space<semaphore_mem>>)
      %dma_wait3A_67 = arith.constant 0 : i32
      %dma_wait3A_68 = tpu.memref_slice %arg9[%scan3A_60, %dma_wait3A_67] : memref<80x125xi32, #tpu.memory_space<vmem>> -> memref<1x125xi32, #tpu.memory_space<vmem>>
      %dma_wait3A_69 = tpu.memref_squeeze %dma_wait3A_68 : memref<1x125xi32, #tpu.memory_space<vmem>> -> memref<125xi32, #tpu.memory_space<vmem>>
      %dma_wait3A_70 = arith.constant 0 : i32
      %dma_wait3A_71 = arith.constant 0 : i32
      %dma_wait3A_72 = tpu.memref_slice %arg2[%dma_wait3A_70, %dma_wait3A_71] : memref<10000x128xf32, #tpu.memory_space<hbm>> -> memref<10000x128xf32, #tpu.memory_space<hbm>>
      tpu.wait_indirect_dma semaphore(%arg13 : memref<!tpu.dma_semaphore, #tpu.memory_space<semaphore_mem>>) src(%dma_wait3A_72 : memref<10000x128xf32, #tpu.memory_space<hbm>>) dst(%arg11 : memref<125x128xf32, #tpu.memory_space<vmem>>)
      "tpu.region"() ({
        %run_scoped3A = tpu.sem_alloc : memref<!tpu.dma_semaphore, #tpu.memory_space<semaphore_mem>>
        %dma_start3A_73 = arith.constant 0 : i32
        %dma_start3A_74 = tpu.memref_slice %arg10[%scan3A_60, %dma_start3A_73] : memref<80x125xi32, #tpu.memory_space<vmem>> -> memref<1x125xi32, #tpu.memory_space<vmem>>
        %dma_start3A_75 = tpu.memref_squeeze %dma_start3A_74 : memref<1x125xi32, #tpu.memory_space<vmem>> -> memref<125xi32, #tpu.memory_space<vmem>>
        %dma_start3A_76 = arith.constant 0 : i32
        %dma_start3A_77 = arith.constant 0 : i32
        %dma_start3A_78 = tpu.memref_slice %arg12[%dma_start3A_76, %dma_start3A_77] : memref<10000x128xf32, #tpu.memory_space<vmem_shared>> -> memref<10000x128xf32, #tpu.memory_space<vmem_shared>>
        tpu.enqueue_indirect_dma source(%arg11 : memref<125x128xf32, #tpu.memory_space<vmem>>) target(%dma_start3A_78 : memref<10000x128xf32, #tpu.memory_space<vmem_shared>>) offsets(%dma_start3A_75 : memref<125xi32, #tpu.memory_space<vmem>>) semaphore(%run_scoped3A : memref<!tpu.dma_semaphore, #tpu.memory_space<semaphore_mem>>) {add = true}
        %dma_wait3A_79 = arith.constant 0 : i32
        %dma_wait3A_80 = tpu.memref_slice %arg10[%scan3A_60, %dma_wait3A_79] : memref<80x125xi32, #tpu.memory_space<vmem>> -> memref<1x125xi32, #tpu.memory_space<vmem>>
        %dma_wait3A_81 = tpu.memref_squeeze %dma_wait3A_80 : memref<1x125xi32, #tpu.memory_space<vmem>> -> memref<125xi32, #tpu.memory_space<vmem>>
        %dma_wait3A_82 = arith.constant 0 : i32
        %dma_wait3A_83 = arith.constant 0 : i32
        %dma_wait3A_84 = tpu.memref_slice %arg12[%dma_wait3A_82, %dma_wait3A_83] : memref<10000x128xf32, #tpu.memory_space<vmem_shared>> -> memref<10000x128xf32, #tpu.memory_space<vmem_shared>>
        tpu.wait_indirect_dma semaphore(%run_scoped3A : memref<!tpu.dma_semaphore, #tpu.memory_space<semaphore_mem>>) src(%arg11 : memref<125x128xf32, #tpu.memory_space<vmem>>) dst(%dma_wait3A_84 : memref<10000x128xf32, #tpu.memory_space<vmem_shared>>)
        tpu.yield
      }) : () -> ()
    }
    %scan3A_43 = arith.constant 80 : i32
    %lt3A_44 = arith.constant 2 : i32
    %lt3A_45 = arith.cmpi slt, %add3A, %lt3A_44 : i32
    %convert_element_type3A_46 = arith.extui %lt3A_45 : i1 to i32
    %cond3A_47 = arith.constant 0 : i32
    %cond3A_48 = arith.cmpi ne, %convert_element_type3A_46, %cond3A_47 : i32
    scf.if %cond3A_48 {
      %mul3A_60 = arith.constant 80 : i32
      %mul3A_61 = arith.muli %add3A, %mul3A_60 : i32
      %multiple_of3A_62 = tpu.assume_multiple %mul3A_61, 8 : i32
      %run_scoped3A = arith.constant 0 : i32
      "tpu.region"() ({
        %run_scoped3A_83 = tpu.sem_alloc : memref<!tpu.dma_semaphore, #tpu.memory_space<semaphore_mem>>
        %dma_start3A_84 = arith.constant 0 : i32
        %dma_start3A_85 = tpu.memref_slice %arg9[%run_scoped3A, %dma_start3A_84] : memref<80x125xi32, #tpu.memory_space<vmem>> -> memref<1x80xi32, #tpu.memory_space<vmem>>
        %dma_start3A_86 = tpu.memref_squeeze %dma_start3A_85 : memref<1x80xi32, #tpu.memory_space<vmem>> -> memref<80xi32, #tpu.memory_space<vmem>>
        %dma_start3A_87 = tpu.memref_slice %arg6[%multiple_of3A_62] : memref<160xi32, #tpu.memory_space<hbm>> -> memref<80xi32, #tpu.memory_space<hbm>>
        %dma_start3A_88 = arith.constant 0 : i32
        %dma_start3A_89 = tpu.memref_slice %arg9[%run_scoped3A, %dma_start3A_88] : memref<80x125xi32, #tpu.memory_space<vmem>> -> memref<1x80xi32, #tpu.memory_space<vmem>>
        %dma_start3A_90 = tpu.memref_squeeze %dma_start3A_89 : memref<1x80xi32, #tpu.memory_space<vmem>> -> memref<80xi32, #tpu.memory_space<vmem>>
        %dma_start3A_91 = tpu.memref_slice %arg6[%multiple_of3A_62] : memref<160xi32, #tpu.memory_space<hbm>> -> memref<80xi32, #tpu.memory_space<hbm>>
        tpu.enqueue_dma source(%dma_start3A_91 : memref<80xi32, #tpu.memory_space<hbm>>) target(%dma_start3A_90 : memref<80xi32, #tpu.memory_space<vmem>>) target_semaphore(%run_scoped3A_83 : memref<!tpu.dma_semaphore, #tpu.memory_space<semaphore_mem>>)
        %dma_wait3A_92 = arith.constant 0 : i32
        %dma_wait3A_93 = tpu.memref_slice %arg9[%run_scoped3A, %dma_wait3A_92] : memref<80x125xi32, #tpu.memory_space<vmem>> -> memref<1x80xi32, #tpu.memory_space<vmem>>
        %dma_wait3A_94 = tpu.memref_squeeze %dma_wait3A_93 : memref<1x80xi32, #tpu.memory_space<vmem>> -> memref<80xi32, #tpu.memory_space<vmem>>
        %dma_wait3A_95 = tpu.memref_slice %arg6[%multiple_of3A_62] : memref<160xi32, #tpu.memory_space<hbm>> -> memref<80xi32, #tpu.memory_space<hbm>>
        %dma_wait3A_96 = arith.constant 0 : i32
        %dma_wait3A_97 = tpu.memref_slice %arg9[%run_scoped3A, %dma_wait3A_96] : memref<80x125xi32, #tpu.memory_space<vmem>> -> memref<1x80xi32, #tpu.memory_space<vmem>>
        %dma_wait3A_98 = tpu.memref_squeeze %dma_wait3A_97 : memref<1x80xi32, #tpu.memory_space<vmem>> -> memref<80xi32, #tpu.memory_space<vmem>>
        %dma_wait3A_99 = tpu.memref_slice %arg6[%multiple_of3A_62] : memref<160xi32, #tpu.memory_space<hbm>> -> memref<80xi32, #tpu.memory_space<hbm>>
        tpu.wait_dma2 semaphore(%run_scoped3A_83 : memref<!tpu.dma_semaphore, #tpu.memory_space<semaphore_mem>>) src(%dma_wait3A_99 : memref<80xi32, #tpu.memory_space<hbm>>) dst(%dma_wait3A_98 : memref<80xi32, #tpu.memory_space<vmem>>)
        tpu.yield
      }) : () -> ()
      %dma_start3A_63 = arith.constant 0 : i32
      %dma_start3A_64 = arith.constant 0 : i32
      %dma_start3A_65 = arith.constant 0 : i32
      %dma_start3A_66 = tpu.memref_slice %arg11[%dma_start3A_64, %dma_start3A_65] : memref<125x128xf32, #tpu.memory_space<vmem>> -> memref<80x128xf32, #tpu.memory_space<vmem>>
      %dma_start3A_67 = arith.constant 0 : i32
      %dma_start3A_68 = tpu.memref_slice %arg9[%dma_start3A_63, %dma_start3A_67] : memref<80x125xi32, #tpu.memory_space<vmem>> -> memref<1x80xi32, #tpu.memory_space<vmem>>
      %dma_start3A_69 = tpu.memref_squeeze %dma_start3A_68 : memref<1x80xi32, #tpu.memory_space<vmem>> -> memref<80xi32, #tpu.memory_space<vmem>>
      %dma_start3A_70 = arith.constant 0 : i32
      %dma_start3A_71 = arith.constant 0 : i32
      %dma_start3A_72 = tpu.memref_slice %arg2[%dma_start3A_70, %dma_start3A_71] : memref<10000x128xf32, #tpu.memory_space<hbm>> -> memref<10000x128xf32, #tpu.memory_space<hbm>>
      tpu.enqueue_indirect_dma source(%dma_start3A_72 : memref<10000x128xf32, #tpu.memory_space<hbm>>) target(%dma_start3A_66 : memref<80x128xf32, #tpu.memory_space<vmem>>) offsets(%dma_start3A_69 : memref<80xi32, #tpu.memory_space<vmem>>) semaphore(%arg13 : memref<!tpu.dma_semaphore, #tpu.memory_space<semaphore_mem>>)
      %dma_wait3A_73 = arith.constant 0 : i32
      %dma_wait3A_74 = arith.constant 0 : i32
      %dma_wait3A_75 = arith.constant 0 : i32
      %dma_wait3A_76 = tpu.memref_slice %arg11[%dma_wait3A_74, %dma_wait3A_75] : memref<125x128xf32, #tpu.memory_space<vmem>> -> memref<80x128xf32, #tpu.memory_space<vmem>>
      %dma_wait3A_77 = arith.constant 0 : i32
      %dma_wait3A_78 = tpu.memref_slice %arg9[%dma_wait3A_73, %dma_wait3A_77] : memref<80x125xi32, #tpu.memory_space<vmem>> -> memref<1x80xi32, #tpu.memory_space<vmem>>
      %dma_wait3A_79 = tpu.memref_squeeze %dma_wait3A_78 : memref<1x80xi32, #tpu.memory_space<vmem>> -> memref<80xi32, #tpu.memory_space<vmem>>
      %dma_wait3A_80 = arith.constant 0 : i32
      %dma_wait3A_81 = arith.constant 0 : i32
      %dma_wait3A_82 = tpu.memref_slice %arg2[%dma_wait3A_80, %dma_wait3A_81] : memref<10000x128xf32, #tpu.memory_space<hbm>> -> memref<10000x128xf32, #tpu.memory_space<hbm>>
      tpu.wait_indirect_dma semaphore(%arg13 : memref<!tpu.dma_semaphore, #tpu.memory_space<semaphore_mem>>) src(%dma_wait3A_82 : memref<10000x128xf32, #tpu.memory_space<hbm>>) dst(%dma_wait3A_76 : memref<80x128xf32, #tpu.memory_space<vmem>>)
      "tpu.region"() ({
        %run_scoped3A_83 = tpu.sem_alloc : memref<!tpu.dma_semaphore, #tpu.memory_space<semaphore_mem>>
        %dma_start3A_84 = arith.constant 0 : i32
        %dma_start3A_85 = arith.constant 0 : i32
        %dma_start3A_86 = tpu.memref_slice %arg11[%dma_start3A_84, %dma_start3A_85] : memref<125x128xf32, #tpu.memory_space<vmem>> -> memref<80x128xf32, #tpu.memory_space<vmem>>
        %dma_start3A_87 = arith.constant 0 : i32
        %dma_start3A_88 = tpu.memref_slice %arg8[%multiple_of3A_62, %dma_start3A_87] : memref<160x128xf32, #tpu.memory_space<hbm>> -> memref<80x128xf32, #tpu.memory_space<hbm>>
        %dma_start3A_89 = arith.constant 0 : i32
        %dma_start3A_90 = tpu.memref_slice %arg8[%multiple_of3A_62, %dma_start3A_89] : memref<160x128xf32, #tpu.memory_space<hbm>> -> memref<80x128xf32, #tpu.memory_space<hbm>>
        %dma_start3A_91 = arith.constant 0 : i32
        %dma_start3A_92 = arith.constant 0 : i32
        %dma_start3A_93 = tpu.memref_slice %arg11[%dma_start3A_91, %dma_start3A_92] : memref<125x128xf32, #tpu.memory_space<vmem>> -> memref<80x128xf32, #tpu.memory_space<vmem>>
        tpu.enqueue_dma source(%dma_start3A_93 : memref<80x128xf32, #tpu.memory_space<vmem>>) target(%dma_start3A_90 : memref<80x128xf32, #tpu.memory_space<hbm>>) target_semaphore(%run_scoped3A_83 : memref<!tpu.dma_semaphore, #tpu.memory_space<semaphore_mem>>)
        %dma_wait3A_94 = arith.constant 0 : i32
        %dma_wait3A_95 = arith.constant 0 : i32
        %dma_wait3A_96 = tpu.memref_slice %arg11[%dma_wait3A_94, %dma_wait3A_95] : memref<125x128xf32, #tpu.memory_space<vmem>> -> memref<80x128xf32, #tpu.memory_space<vmem>>
        %dma_wait3A_97 = arith.constant 0 : i32
        %dma_wait3A_98 = tpu.memref_slice %arg8[%multiple_of3A_62, %dma_wait3A_97] : memref<160x128xf32, #tpu.memory_space<hbm>> -> memref<80x128xf32, #tpu.memory_space<hbm>>
        %dma_wait3A_99 = arith.constant 0 : i32
        %dma_wait3A_100 = tpu.memref_slice %arg8[%multiple_of3A_62, %dma_wait3A_99] : memref<160x128xf32, #tpu.memory_space<hbm>> -> memref<80x128xf32, #tpu.memory_space<hbm>>
        %dma_wait3A_101 = arith.constant 0 : i32
        %dma_wait3A_102 = arith.constant 0 : i32
        %dma_wait3A_103 = tpu.memref_slice %arg11[%dma_wait3A_101, %dma_wait3A_102] : memref<125x128xf32, #tpu.memory_space<vmem>> -> memref<80x128xf32, #tpu.memory_space<vmem>>
        tpu.wait_dma2 semaphore(%run_scoped3A_83 : memref<!tpu.dma_semaphore, #tpu.memory_space<semaphore_mem>>) src(%dma_wait3A_103 : memref<80x128xf32, #tpu.memory_space<vmem>>) dst(%dma_wait3A_100 : memref<80x128xf32, #tpu.memory_space<hbm>>)
        tpu.yield
      }) : () -> ()
    } else {
    }
    %barrier3A_49 = arith.constant 0 : index
    tpu.barrier barrier_id(%barrier3A_49)
    %lt3A_50 = arith.constant 15 : i32
    %lt3A_51 = arith.cmpi slt, %arg1, %lt3A_50 : i32
    %convert_element_type3A_52 = arith.extui %lt3A_51 : i1 to i32
    %cond3A_53 = arith.constant 0 : i32
    %cond3A_54 = arith.cmpi ne, %convert_element_type3A_52, %cond3A_53 : i32
    scf.if %cond3A_54 {
      "tpu.region"() ({
        %run_scoped3A = tpu.sem_alloc : memref<!tpu.dma_semaphore, #tpu.memory_space<semaphore_mem>>
        %dma_start3A_60 = arith.constant 0 : i32
        %dma_start3A_61 = tpu.memref_slice %arg7[%arg0, %multiple_of3A, %dma_start3A_60] : memref<2x10000x128xf32, #tpu.memory_space<hbm>> -> memref<1x632x128xf32, #tpu.memory_space<hbm>>
        %dma_start3A_62 = tpu.memref_squeeze %dma_start3A_61 : memref<1x632x128xf32, #tpu.memory_space<hbm>> -> memref<632x128xf32, #tpu.memory_space<hbm>>
        %dma_start3A_63 = arith.constant 0 : i32
        %dma_start3A_64 = tpu.memref_slice %arg12[%multiple_of3A, %dma_start3A_63] : memref<10000x128xf32, #tpu.memory_space<vmem_shared>> -> memref<632x128xf32, #tpu.memory_space<vmem_shared>>
        tpu.enqueue_dma source(%dma_start3A_64 : memref<632x128xf32, #tpu.memory_space<vmem_shared>>) target(%dma_start3A_62 : memref<632x128xf32, #tpu.memory_space<hbm>>) target_semaphore(%run_scoped3A : memref<!tpu.dma_semaphore, #tpu.memory_space<semaphore_mem>>)
        %dma_wait3A_65 = arith.constant 0 : i32
        %dma_wait3A_66 = tpu.memref_slice %arg7[%arg0, %multiple_of3A, %dma_wait3A_65] : memref<2x10000x128xf32, #tpu.memory_space<hbm>> -> memref<1x632x128xf32, #tpu.memory_space<hbm>>
        %dma_wait3A_67 = tpu.memref_squeeze %dma_wait3A_66 : memref<1x632x128xf32, #tpu.memory_space<hbm>> -> memref<632x128xf32, #tpu.memory_space<hbm>>
        %dma_wait3A_68 = arith.constant 0 : i32
        %dma_wait3A_69 = tpu.memref_slice %arg12[%multiple_of3A, %dma_wait3A_68] : memref<10000x128xf32, #tpu.memory_space<vmem_shared>> -> memref<632x128xf32, #tpu.memory_space<vmem_shared>>
        tpu.wait_dma2 semaphore(%run_scoped3A : memref<!tpu.dma_semaphore, #tpu.memory_space<semaphore_mem>>) src(%dma_wait3A_69 : memref<632x128xf32, #tpu.memory_space<vmem_shared>>) dst(%dma_wait3A_67 : memref<632x128xf32, #tpu.memory_space<hbm>>)
        tpu.yield
      }) : () -> ()
    } else {
    }
    %eq3A_55 = arith.constant 15 : i32
    %eq3A_56 = arith.cmpi eq, %arg1, %eq3A_55 : i32
    %convert_element_type3A_57 = arith.extui %eq3A_56 : i1 to i32
    %cond3A_58 = arith.constant 0 : i32
    %cond3A_59 = arith.cmpi ne, %convert_element_type3A_57, %cond3A_58 : i32
    scf.if %cond3A_59 {
      "tpu.region"() ({
        %run_scoped3A = tpu.sem_alloc : memref<!tpu.dma_semaphore, #tpu.memory_space<semaphore_mem>>
        %dma_start3A_60 = arith.constant 0 : i32
        %dma_start3A_61 = tpu.memref_slice %arg7[%arg0, %multiple_of3A, %dma_start3A_60] : memref<2x10000x128xf32, #tpu.memory_space<hbm>> -> memref<1x520x128xf32, #tpu.memory_space<hbm>>
        %dma_start3A_62 = tpu.memref_squeeze %dma_start3A_61 : memref<1x520x128xf32, #tpu.memory_space<hbm>> -> memref<520x128xf32, #tpu.memory_space<hbm>>
        %dma_start3A_63 = arith.constant 0 : i32
        %dma_start3A_64 = tpu.memref_slice %arg12[%multiple_of3A, %dma_start3A_63] : memref<10000x128xf32, #tpu.memory_space<vmem_shared>> -> memref<520x128xf32, #tpu.memory_space<vmem_shared>>
        tpu.enqueue_dma source(%dma_start3A_64 : memref<520x128xf32, #tpu.memory_space<vmem_shared>>) target(%dma_start3A_62 : memref<520x128xf32, #tpu.memory_space<hbm>>) target_semaphore(%run_scoped3A : memref<!tpu.dma_semaphore, #tpu.memory_space<semaphore_mem>>)
        %dma_wait3A_65 = arith.constant 0 : i32
        %dma_wait3A_66 = tpu.memref_slice %arg7[%arg0, %multiple_of3A, %dma_wait3A_65] : memref<2x10000x128xf32, #tpu.memory_space<hbm>> -> memref<1x520x128xf32, #tpu.memory_space<hbm>>
        %dma_wait3A_67 = tpu.memref_squeeze %dma_wait3A_66 : memref<1x520x128xf32, #tpu.memory_space<hbm>> -> memref<520x128xf32, #tpu.memory_space<hbm>>
        %dma_wait3A_68 = arith.constant 0 : i32
        %dma_wait3A_69 = tpu.memref_slice %arg12[%multiple_of3A, %dma_wait3A_68] : memref<10000x128xf32, #tpu.memory_space<vmem_shared>> -> memref<520x128xf32, #tpu.memory_space<vmem_shared>>
        tpu.wait_dma2 semaphore(%run_scoped3A : memref<!tpu.dma_semaphore, #tpu.memory_space<semaphore_mem>>) src(%dma_wait3A_69 : memref<520x128xf32, #tpu.memory_space<vmem_shared>>) dst(%dma_wait3A_67 : memref<520x128xf32, #tpu.memory_space<hbm>>)
        tpu.yield
      }) : () -> ()
    } else {
    }
    return
  }
}

#map = affine_map<(d0, d1) -> (0, 0)>
#map1 = affine_map<(d0, d1) -> (0, 0, 0)>
module attributes {stable_mosaic.version = 14 : i64} {
  func.func @seg_sum(%arg0: i32, %arg1: i32, %arg2: memref<10000x128xf32, #tpu.memory_space<hbm>>, %arg3: memref<32x80x125xi32, #tpu.memory_space<hbm>>, %arg4: memref<32x80x125xi32, #tpu.memory_space<hbm>>, %arg5: memref<10000x128xf32, #tpu.memory_space<hbm>>, %arg6: memref<2x10000x128xf32, #tpu.memory_space<hbm>>, %arg7: memref<80x125xi32, #tpu.memory_space<vmem>>, %arg8: memref<80x125xi32, #tpu.memory_space<vmem>>, %arg9: memref<125x128xf32, #tpu.memory_space<vmem>>, %arg10: memref<10000x128xf32, #tpu.memory_space<vmem_shared>>, %arg11: memref<!tpu.dma_semaphore, #tpu.memory_space<semaphore_mem>>) attributes {dimension_semantics = [#tpu.dimension_semantics<core_parallel>, #tpu.dimension_semantics<subcore_parallel>], iteration_bounds = array<i64: 2, 16>, scalar_prefetch = 0 : i64, scratch_operands = 5 : i64, tpu.core_type = #tpu.core_type<sc_vector_subcore>, window_params = [{transform_indices = #map}, {transform_indices = #map1}, {transform_indices = #map1}, {transform_indices = #map}, {transform_indices = #map1}]} {
    %mul3A = arith.constant 16 : i32
    %mul3A_0 = arith.muli %arg0, %mul3A : i32
    %add3A = arith.addi %mul3A_0, %arg1 : i32
    %mul3A_1 = arith.constant 632 : i32
    %mul3A_2 = arith.muli %arg1, %mul3A_1 : i32
    %multiple_of3A = tpu.assume_multiple %mul3A_2, 8 : i32
    %dma_start3A = arith.constant 0 : i32
    %dma_start3A_3 = arith.constant 0 : i32
    %dma_start3A_4 = tpu.memref_slice %arg3[%add3A, %dma_start3A, %dma_start3A_3] : memref<32x80x125xi32, #tpu.memory_space<hbm>> -> memref<1x80x125xi32, #tpu.memory_space<hbm>>
    %dma_start3A_5 = tpu.memref_squeeze %dma_start3A_4 : memref<1x80x125xi32, #tpu.memory_space<hbm>> -> memref<80x125xi32, #tpu.memory_space<hbm>>
    %dma_start3A_6 = arith.constant 0 : i32
    %dma_start3A_7 = arith.constant 0 : i32
    %dma_start3A_8 = tpu.memref_slice %arg3[%add3A, %dma_start3A_6, %dma_start3A_7] : memref<32x80x125xi32, #tpu.memory_space<hbm>> -> memref<1x80x125xi32, #tpu.memory_space<hbm>>
    %dma_start3A_9 = tpu.memref_squeeze %dma_start3A_8 : memref<1x80x125xi32, #tpu.memory_space<hbm>> -> memref<80x125xi32, #tpu.memory_space<hbm>>
    tpu.enqueue_dma source(%dma_start3A_9 : memref<80x125xi32, #tpu.memory_space<hbm>>) target(%arg7 : memref<80x125xi32, #tpu.memory_space<vmem>>) target_semaphore(%arg11 : memref<!tpu.dma_semaphore, #tpu.memory_space<semaphore_mem>>)
    %dma_start3A_10 = arith.constant 0 : i32
    %dma_start3A_11 = arith.constant 0 : i32
    %dma_start3A_12 = tpu.memref_slice %arg4[%add3A, %dma_start3A_10, %dma_start3A_11] : memref<32x80x125xi32, #tpu.memory_space<hbm>> -> memref<1x80x125xi32, #tpu.memory_space<hbm>>
    %dma_start3A_13 = tpu.memref_squeeze %dma_start3A_12 : memref<1x80x125xi32, #tpu.memory_space<hbm>> -> memref<80x125xi32, #tpu.memory_space<hbm>>
    %dma_start3A_14 = arith.constant 0 : i32
    %dma_start3A_15 = arith.constant 0 : i32
    %dma_start3A_16 = tpu.memref_slice %arg4[%add3A, %dma_start3A_14, %dma_start3A_15] : memref<32x80x125xi32, #tpu.memory_space<hbm>> -> memref<1x80x125xi32, #tpu.memory_space<hbm>>
    %dma_start3A_17 = tpu.memref_squeeze %dma_start3A_16 : memref<1x80x125xi32, #tpu.memory_space<hbm>> -> memref<80x125xi32, #tpu.memory_space<hbm>>
    tpu.enqueue_dma source(%dma_start3A_17 : memref<80x125xi32, #tpu.memory_space<hbm>>) target(%arg8 : memref<80x125xi32, #tpu.memory_space<vmem>>) target_semaphore(%arg11 : memref<!tpu.dma_semaphore, #tpu.memory_space<semaphore_mem>>)
    %lt3A = arith.constant 15 : i32
    %lt3A_18 = arith.cmpi slt, %arg1, %lt3A : i32
    %convert_element_type3A = arith.extui %lt3A_18 : i1 to i32
    %cond3A = arith.constant 0 : i32
    %cond3A_19 = arith.cmpi ne, %convert_element_type3A, %cond3A : i32
    scf.if %cond3A_19 {
      "tpu.region"() ({
        %run_scoped3A = tpu.sem_alloc : memref<!tpu.dma_semaphore, #tpu.memory_space<semaphore_mem>>
        %dma_start3A_55 = arith.constant 0 : i32
        %dma_start3A_56 = tpu.memref_slice %arg10[%multiple_of3A, %dma_start3A_55] : memref<10000x128xf32, #tpu.memory_space<vmem_shared>> -> memref<632x128xf32, #tpu.memory_space<vmem_shared>>
        %dma_start3A_57 = arith.constant 0 : i32
        %dma_start3A_58 = tpu.memref_slice %arg5[%multiple_of3A, %dma_start3A_57] : memref<10000x128xf32, #tpu.memory_space<hbm>> -> memref<632x128xf32, #tpu.memory_space<hbm>>
        tpu.enqueue_dma source(%dma_start3A_58 : memref<632x128xf32, #tpu.memory_space<hbm>>) target(%dma_start3A_56 : memref<632x128xf32, #tpu.memory_space<vmem_shared>>) target_semaphore(%run_scoped3A : memref<!tpu.dma_semaphore, #tpu.memory_space<semaphore_mem>>)
        %dma_wait3A_59 = arith.constant 0 : i32
        %dma_wait3A_60 = tpu.memref_slice %arg10[%multiple_of3A, %dma_wait3A_59] : memref<10000x128xf32, #tpu.memory_space<vmem_shared>> -> memref<632x128xf32, #tpu.memory_space<vmem_shared>>
        %dma_wait3A_61 = arith.constant 0 : i32
        %dma_wait3A_62 = tpu.memref_slice %arg5[%multiple_of3A, %dma_wait3A_61] : memref<10000x128xf32, #tpu.memory_space<hbm>> -> memref<632x128xf32, #tpu.memory_space<hbm>>
        tpu.wait_dma2 semaphore(%run_scoped3A : memref<!tpu.dma_semaphore, #tpu.memory_space<semaphore_mem>>) src(%dma_wait3A_62 : memref<632x128xf32, #tpu.memory_space<hbm>>) dst(%dma_wait3A_60 : memref<632x128xf32, #tpu.memory_space<vmem_shared>>)
        tpu.yield
      }) : () -> ()
    } else {
    }
    %eq3A = arith.constant 15 : i32
    %eq3A_20 = arith.cmpi eq, %arg1, %eq3A : i32
    %convert_element_type3A_21 = arith.extui %eq3A_20 : i1 to i32
    %cond3A_22 = arith.constant 0 : i32
    %cond3A_23 = arith.cmpi ne, %convert_element_type3A_21, %cond3A_22 : i32
    scf.if %cond3A_23 {
      "tpu.region"() ({
        %run_scoped3A = tpu.sem_alloc : memref<!tpu.dma_semaphore, #tpu.memory_space<semaphore_mem>>
        %dma_start3A_55 = arith.constant 0 : i32
        %dma_start3A_56 = tpu.memref_slice %arg10[%multiple_of3A, %dma_start3A_55] : memref<10000x128xf32, #tpu.memory_space<vmem_shared>> -> memref<520x128xf32, #tpu.memory_space<vmem_shared>>
        %dma_start3A_57 = arith.constant 0 : i32
        %dma_start3A_58 = tpu.memref_slice %arg5[%multiple_of3A, %dma_start3A_57] : memref<10000x128xf32, #tpu.memory_space<hbm>> -> memref<520x128xf32, #tpu.memory_space<hbm>>
        tpu.enqueue_dma source(%dma_start3A_58 : memref<520x128xf32, #tpu.memory_space<hbm>>) target(%dma_start3A_56 : memref<520x128xf32, #tpu.memory_space<vmem_shared>>) target_semaphore(%run_scoped3A : memref<!tpu.dma_semaphore, #tpu.memory_space<semaphore_mem>>)
        %dma_wait3A_59 = arith.constant 0 : i32
        %dma_wait3A_60 = tpu.memref_slice %arg10[%multiple_of3A, %dma_wait3A_59] : memref<10000x128xf32, #tpu.memory_space<vmem_shared>> -> memref<520x128xf32, #tpu.memory_space<vmem_shared>>
        %dma_wait3A_61 = arith.constant 0 : i32
        %dma_wait3A_62 = tpu.memref_slice %arg5[%multiple_of3A, %dma_wait3A_61] : memref<10000x128xf32, #tpu.memory_space<hbm>> -> memref<520x128xf32, #tpu.memory_space<hbm>>
        tpu.wait_dma2 semaphore(%run_scoped3A : memref<!tpu.dma_semaphore, #tpu.memory_space<semaphore_mem>>) src(%dma_wait3A_62 : memref<520x128xf32, #tpu.memory_space<hbm>>) dst(%dma_wait3A_60 : memref<520x128xf32, #tpu.memory_space<vmem_shared>>)
        tpu.yield
      }) : () -> ()
    } else {
    }
    %dma_wait3A = arith.constant 0 : i32
    %dma_wait3A_24 = arith.constant 0 : i32
    %dma_wait3A_25 = tpu.memref_slice %arg3[%add3A, %dma_wait3A, %dma_wait3A_24] : memref<32x80x125xi32, #tpu.memory_space<hbm>> -> memref<1x80x125xi32, #tpu.memory_space<hbm>>
    %dma_wait3A_26 = tpu.memref_squeeze %dma_wait3A_25 : memref<1x80x125xi32, #tpu.memory_space<hbm>> -> memref<80x125xi32, #tpu.memory_space<hbm>>
    %dma_wait3A_27 = arith.constant 0 : i32
    %dma_wait3A_28 = arith.constant 0 : i32
    %dma_wait3A_29 = tpu.memref_slice %arg3[%add3A, %dma_wait3A_27, %dma_wait3A_28] : memref<32x80x125xi32, #tpu.memory_space<hbm>> -> memref<1x80x125xi32, #tpu.memory_space<hbm>>
    %dma_wait3A_30 = tpu.memref_squeeze %dma_wait3A_29 : memref<1x80x125xi32, #tpu.memory_space<hbm>> -> memref<80x125xi32, #tpu.memory_space<hbm>>
    tpu.wait_dma2 semaphore(%arg11 : memref<!tpu.dma_semaphore, #tpu.memory_space<semaphore_mem>>) src(%dma_wait3A_30 : memref<80x125xi32, #tpu.memory_space<hbm>>) dst(%arg7 : memref<80x125xi32, #tpu.memory_space<vmem>>)
    %dma_wait3A_31 = arith.constant 0 : i32
    %dma_wait3A_32 = arith.constant 0 : i32
    %dma_wait3A_33 = tpu.memref_slice %arg4[%add3A, %dma_wait3A_31, %dma_wait3A_32] : memref<32x80x125xi32, #tpu.memory_space<hbm>> -> memref<1x80x125xi32, #tpu.memory_space<hbm>>
    %dma_wait3A_34 = tpu.memref_squeeze %dma_wait3A_33 : memref<1x80x125xi32, #tpu.memory_space<hbm>> -> memref<80x125xi32, #tpu.memory_space<hbm>>
    %dma_wait3A_35 = arith.constant 0 : i32
    %dma_wait3A_36 = arith.constant 0 : i32
    %dma_wait3A_37 = tpu.memref_slice %arg4[%add3A, %dma_wait3A_35, %dma_wait3A_36] : memref<32x80x125xi32, #tpu.memory_space<hbm>> -> memref<1x80x125xi32, #tpu.memory_space<hbm>>
    %dma_wait3A_38 = tpu.memref_squeeze %dma_wait3A_37 : memref<1x80x125xi32, #tpu.memory_space<hbm>> -> memref<80x125xi32, #tpu.memory_space<hbm>>
    tpu.wait_dma2 semaphore(%arg11 : memref<!tpu.dma_semaphore, #tpu.memory_space<semaphore_mem>>) src(%dma_wait3A_38 : memref<80x125xi32, #tpu.memory_space<hbm>>) dst(%arg8 : memref<80x125xi32, #tpu.memory_space<vmem>>)
    %barrier3A = arith.constant 0 : index
    tpu.barrier barrier_id(%barrier3A)
    %scan3A = arith.constant 0 : i32
    %scan3A_39 = arith.constant 0 : i32
    %scan3A_40 = arith.constant 80 : i32
    %scan3A_41 = arith.addi %scan3A_39, %scan3A_40 : i32
    %scan3A_42 = arith.constant 1 : i32
    scf.for %scan3A_55 = %scan3A_39 to %scan3A_41 step %scan3A_42  : i32 {
      %dma_start3A_56 = arith.constant 0 : i32
      %dma_start3A_57 = tpu.memref_slice %arg7[%scan3A_55, %dma_start3A_56] : memref<80x125xi32, #tpu.memory_space<vmem>> -> memref<1x125xi32, #tpu.memory_space<vmem>>
      %dma_start3A_58 = tpu.memref_squeeze %dma_start3A_57 : memref<1x125xi32, #tpu.memory_space<vmem>> -> memref<125xi32, #tpu.memory_space<vmem>>
      %dma_start3A_59 = arith.constant 0 : i32
      %dma_start3A_60 = arith.constant 0 : i32
      %dma_start3A_61 = tpu.memref_slice %arg2[%dma_start3A_59, %dma_start3A_60] : memref<10000x128xf32, #tpu.memory_space<hbm>> -> memref<10000x128xf32, #tpu.memory_space<hbm>>
      tpu.enqueue_indirect_dma source(%dma_start3A_61 : memref<10000x128xf32, #tpu.memory_space<hbm>>) target(%arg9 : memref<125x128xf32, #tpu.memory_space<vmem>>) offsets(%dma_start3A_58 : memref<125xi32, #tpu.memory_space<vmem>>) semaphore(%arg11 : memref<!tpu.dma_semaphore, #tpu.memory_space<semaphore_mem>>)
      %dma_wait3A_62 = arith.constant 0 : i32
      %dma_wait3A_63 = tpu.memref_slice %arg7[%scan3A_55, %dma_wait3A_62] : memref<80x125xi32, #tpu.memory_space<vmem>> -> memref<1x125xi32, #tpu.memory_space<vmem>>
      %dma_wait3A_64 = tpu.memref_squeeze %dma_wait3A_63 : memref<1x125xi32, #tpu.memory_space<vmem>> -> memref<125xi32, #tpu.memory_space<vmem>>
      %dma_wait3A_65 = arith.constant 0 : i32
      %dma_wait3A_66 = arith.constant 0 : i32
      %dma_wait3A_67 = tpu.memref_slice %arg2[%dma_wait3A_65, %dma_wait3A_66] : memref<10000x128xf32, #tpu.memory_space<hbm>> -> memref<10000x128xf32, #tpu.memory_space<hbm>>
      tpu.wait_indirect_dma semaphore(%arg11 : memref<!tpu.dma_semaphore, #tpu.memory_space<semaphore_mem>>) src(%dma_wait3A_67 : memref<10000x128xf32, #tpu.memory_space<hbm>>) dst(%arg9 : memref<125x128xf32, #tpu.memory_space<vmem>>)
      "tpu.region"() ({
        %run_scoped3A = tpu.sem_alloc : memref<!tpu.dma_semaphore, #tpu.memory_space<semaphore_mem>>
        %dma_start3A_68 = arith.constant 0 : i32
        %dma_start3A_69 = tpu.memref_slice %arg8[%scan3A_55, %dma_start3A_68] : memref<80x125xi32, #tpu.memory_space<vmem>> -> memref<1x125xi32, #tpu.memory_space<vmem>>
        %dma_start3A_70 = tpu.memref_squeeze %dma_start3A_69 : memref<1x125xi32, #tpu.memory_space<vmem>> -> memref<125xi32, #tpu.memory_space<vmem>>
        %dma_start3A_71 = arith.constant 0 : i32
        %dma_start3A_72 = arith.constant 0 : i32
        %dma_start3A_73 = tpu.memref_slice %arg10[%dma_start3A_71, %dma_start3A_72] : memref<10000x128xf32, #tpu.memory_space<vmem_shared>> -> memref<10000x128xf32, #tpu.memory_space<vmem_shared>>
        tpu.enqueue_indirect_dma source(%arg9 : memref<125x128xf32, #tpu.memory_space<vmem>>) target(%dma_start3A_73 : memref<10000x128xf32, #tpu.memory_space<vmem_shared>>) offsets(%dma_start3A_70 : memref<125xi32, #tpu.memory_space<vmem>>) semaphore(%run_scoped3A : memref<!tpu.dma_semaphore, #tpu.memory_space<semaphore_mem>>) {add = true}
        %dma_wait3A_74 = arith.constant 0 : i32
        %dma_wait3A_75 = tpu.memref_slice %arg8[%scan3A_55, %dma_wait3A_74] : memref<80x125xi32, #tpu.memory_space<vmem>> -> memref<1x125xi32, #tpu.memory_space<vmem>>
        %dma_wait3A_76 = tpu.memref_squeeze %dma_wait3A_75 : memref<1x125xi32, #tpu.memory_space<vmem>> -> memref<125xi32, #tpu.memory_space<vmem>>
        %dma_wait3A_77 = arith.constant 0 : i32
        %dma_wait3A_78 = arith.constant 0 : i32
        %dma_wait3A_79 = tpu.memref_slice %arg10[%dma_wait3A_77, %dma_wait3A_78] : memref<10000x128xf32, #tpu.memory_space<vmem_shared>> -> memref<10000x128xf32, #tpu.memory_space<vmem_shared>>
        tpu.wait_indirect_dma semaphore(%run_scoped3A : memref<!tpu.dma_semaphore, #tpu.memory_space<semaphore_mem>>) src(%arg9 : memref<125x128xf32, #tpu.memory_space<vmem>>) dst(%dma_wait3A_79 : memref<10000x128xf32, #tpu.memory_space<vmem_shared>>)
        tpu.yield
      }) : () -> ()
    }
    %scan3A_43 = arith.constant 80 : i32
    %barrier3A_44 = arith.constant 0 : index
    tpu.barrier barrier_id(%barrier3A_44)
    %lt3A_45 = arith.constant 15 : i32
    %lt3A_46 = arith.cmpi slt, %arg1, %lt3A_45 : i32
    %convert_element_type3A_47 = arith.extui %lt3A_46 : i1 to i32
    %cond3A_48 = arith.constant 0 : i32
    %cond3A_49 = arith.cmpi ne, %convert_element_type3A_47, %cond3A_48 : i32
    scf.if %cond3A_49 {
      "tpu.region"() ({
        %run_scoped3A = tpu.sem_alloc : memref<!tpu.dma_semaphore, #tpu.memory_space<semaphore_mem>>
        %dma_start3A_55 = arith.constant 0 : i32
        %dma_start3A_56 = tpu.memref_slice %arg6[%arg0, %multiple_of3A, %dma_start3A_55] : memref<2x10000x128xf32, #tpu.memory_space<hbm>> -> memref<1x632x128xf32, #tpu.memory_space<hbm>>
        %dma_start3A_57 = tpu.memref_squeeze %dma_start3A_56 : memref<1x632x128xf32, #tpu.memory_space<hbm>> -> memref<632x128xf32, #tpu.memory_space<hbm>>
        %dma_start3A_58 = arith.constant 0 : i32
        %dma_start3A_59 = tpu.memref_slice %arg10[%multiple_of3A, %dma_start3A_58] : memref<10000x128xf32, #tpu.memory_space<vmem_shared>> -> memref<632x128xf32, #tpu.memory_space<vmem_shared>>
        tpu.enqueue_dma source(%dma_start3A_59 : memref<632x128xf32, #tpu.memory_space<vmem_shared>>) target(%dma_start3A_57 : memref<632x128xf32, #tpu.memory_space<hbm>>) target_semaphore(%run_scoped3A : memref<!tpu.dma_semaphore, #tpu.memory_space<semaphore_mem>>)
        %dma_wait3A_60 = arith.constant 0 : i32
        %dma_wait3A_61 = tpu.memref_slice %arg6[%arg0, %multiple_of3A, %dma_wait3A_60] : memref<2x10000x128xf32, #tpu.memory_space<hbm>> -> memref<1x632x128xf32, #tpu.memory_space<hbm>>
        %dma_wait3A_62 = tpu.memref_squeeze %dma_wait3A_61 : memref<1x632x128xf32, #tpu.memory_space<hbm>> -> memref<632x128xf32, #tpu.memory_space<hbm>>
        %dma_wait3A_63 = arith.constant 0 : i32
        %dma_wait3A_64 = tpu.memref_slice %arg10[%multiple_of3A, %dma_wait3A_63] : memref<10000x128xf32, #tpu.memory_space<vmem_shared>> -> memref<632x128xf32, #tpu.memory_space<vmem_shared>>
        tpu.wait_dma2 semaphore(%run_scoped3A : memref<!tpu.dma_semaphore, #tpu.memory_space<semaphore_mem>>) src(%dma_wait3A_64 : memref<632x128xf32, #tpu.memory_space<vmem_shared>>) dst(%dma_wait3A_62 : memref<632x128xf32, #tpu.memory_space<hbm>>)
        tpu.yield
      }) : () -> ()
    } else {
    }
    %eq3A_50 = arith.constant 15 : i32
    %eq3A_51 = arith.cmpi eq, %arg1, %eq3A_50 : i32
    %convert_element_type3A_52 = arith.extui %eq3A_51 : i1 to i32
    %cond3A_53 = arith.constant 0 : i32
    %cond3A_54 = arith.cmpi ne, %convert_element_type3A_52, %cond3A_53 : i32
    scf.if %cond3A_54 {
      "tpu.region"() ({
        %run_scoped3A = tpu.sem_alloc : memref<!tpu.dma_semaphore, #tpu.memory_space<semaphore_mem>>
        %dma_start3A_55 = arith.constant 0 : i32
        %dma_start3A_56 = tpu.memref_slice %arg6[%arg0, %multiple_of3A, %dma_start3A_55] : memref<2x10000x128xf32, #tpu.memory_space<hbm>> -> memref<1x520x128xf32, #tpu.memory_space<hbm>>
        %dma_start3A_57 = tpu.memref_squeeze %dma_start3A_56 : memref<1x520x128xf32, #tpu.memory_space<hbm>> -> memref<520x128xf32, #tpu.memory_space<hbm>>
        %dma_start3A_58 = arith.constant 0 : i32
        %dma_start3A_59 = tpu.memref_slice %arg10[%multiple_of3A, %dma_start3A_58] : memref<10000x128xf32, #tpu.memory_space<vmem_shared>> -> memref<520x128xf32, #tpu.memory_space<vmem_shared>>
        tpu.enqueue_dma source(%dma_start3A_59 : memref<520x128xf32, #tpu.memory_space<vmem_shared>>) target(%dma_start3A_57 : memref<520x128xf32, #tpu.memory_space<hbm>>) target_semaphore(%run_scoped3A : memref<!tpu.dma_semaphore, #tpu.memory_space<semaphore_mem>>)
        %dma_wait3A_60 = arith.constant 0 : i32
        %dma_wait3A_61 = tpu.memref_slice %arg6[%arg0, %multiple_of3A, %dma_wait3A_60] : memref<2x10000x128xf32, #tpu.memory_space<hbm>> -> memref<1x520x128xf32, #tpu.memory_space<hbm>>
        %dma_wait3A_62 = tpu.memref_squeeze %dma_wait3A_61 : memref<1x520x128xf32, #tpu.memory_space<hbm>> -> memref<520x128xf32, #tpu.memory_space<hbm>>
        %dma_wait3A_63 = arith.constant 0 : i32
        %dma_wait3A_64 = tpu.memref_slice %arg10[%multiple_of3A, %dma_wait3A_63] : memref<10000x128xf32, #tpu.memory_space<vmem_shared>> -> memref<520x128xf32, #tpu.memory_space<vmem_shared>>
        tpu.wait_dma2 semaphore(%run_scoped3A : memref<!tpu.dma_semaphore, #tpu.memory_space<semaphore_mem>>) src(%dma_wait3A_64 : memref<520x128xf32, #tpu.memory_space<vmem_shared>>) dst(%dma_wait3A_62 : memref<520x128xf32, #tpu.memory_space<hbm>>)
        tpu.yield
      }) : () -> ()
    } else {
    }
    return
  }
}

#map = affine_map<(d0, d1) -> (0, 0)>
#map1 = affine_map<(d0, d1) -> (0, 0, 0)>
module attributes {stable_mosaic.version = 14 : i64} {
  func.func @seg_sum(%arg0: i32, %arg1: i32, %arg2: memref<10000x128xf32, #tpu.memory_space<hbm>>, %arg3: memref<32x80x125xi32, #tpu.memory_space<hbm>>, %arg4: memref<32x80x125xi32, #tpu.memory_space<hbm>>, %arg5: memref<10000x128xf32, #tpu.memory_space<hbm>>, %arg6: memref<2x10000x128xf32, #tpu.memory_space<hbm>>, %arg7: memref<80x125xi32, #tpu.memory_space<vmem>>, %arg8: memref<80x125xi32, #tpu.memory_space<vmem>>, %arg9: memref<125x128xf32, #tpu.memory_space<vmem>>, %arg10: memref<10000x128xf32, #tpu.memory_space<vmem_shared>>, %arg11: memref<!tpu.dma_semaphore, #tpu.memory_space<semaphore_mem>>) attributes {dimension_semantics = [#tpu.dimension_semantics<core_parallel>, #tpu.dimension_semantics<subcore_parallel>], iteration_bounds = array<i64: 2, 16>, scalar_prefetch = 0 : i64, scratch_operands = 5 : i64, tpu.core_type = #tpu.core_type<sc_vector_subcore>, window_params = [{transform_indices = #map}, {transform_indices = #map1}, {transform_indices = #map1}, {transform_indices = #map}, {transform_indices = #map1}]} {
    %mul3A = arith.constant 16 : i32
    %mul3A_0 = arith.muli %arg0, %mul3A : i32
    %add3A = arith.addi %mul3A_0, %arg1 : i32
    %mul3A_1 = arith.constant 632 : i32
    %mul3A_2 = arith.muli %arg1, %mul3A_1 : i32
    %multiple_of3A = tpu.assume_multiple %mul3A_2, 8 : i32
    %dma_start3A = arith.constant 0 : i32
    %dma_start3A_3 = arith.constant 0 : i32
    %dma_start3A_4 = tpu.memref_slice %arg3[%add3A, %dma_start3A, %dma_start3A_3] : memref<32x80x125xi32, #tpu.memory_space<hbm>> -> memref<1x80x125xi32, #tpu.memory_space<hbm>>
    %dma_start3A_5 = tpu.memref_squeeze %dma_start3A_4 : memref<1x80x125xi32, #tpu.memory_space<hbm>> -> memref<80x125xi32, #tpu.memory_space<hbm>>
    %dma_start3A_6 = arith.constant 0 : i32
    %dma_start3A_7 = arith.constant 0 : i32
    %dma_start3A_8 = tpu.memref_slice %arg3[%add3A, %dma_start3A_6, %dma_start3A_7] : memref<32x80x125xi32, #tpu.memory_space<hbm>> -> memref<1x80x125xi32, #tpu.memory_space<hbm>>
    %dma_start3A_9 = tpu.memref_squeeze %dma_start3A_8 : memref<1x80x125xi32, #tpu.memory_space<hbm>> -> memref<80x125xi32, #tpu.memory_space<hbm>>
    tpu.enqueue_dma source(%dma_start3A_9 : memref<80x125xi32, #tpu.memory_space<hbm>>) target(%arg7 : memref<80x125xi32, #tpu.memory_space<vmem>>) target_semaphore(%arg11 : memref<!tpu.dma_semaphore, #tpu.memory_space<semaphore_mem>>)
    %dma_start3A_10 = arith.constant 0 : i32
    %dma_start3A_11 = arith.constant 0 : i32
    %dma_start3A_12 = tpu.memref_slice %arg4[%add3A, %dma_start3A_10, %dma_start3A_11] : memref<32x80x125xi32, #tpu.memory_space<hbm>> -> memref<1x80x125xi32, #tpu.memory_space<hbm>>
    %dma_start3A_13 = tpu.memref_squeeze %dma_start3A_12 : memref<1x80x125xi32, #tpu.memory_space<hbm>> -> memref<80x125xi32, #tpu.memory_space<hbm>>
    %dma_start3A_14 = arith.constant 0 : i32
    %dma_start3A_15 = arith.constant 0 : i32
    %dma_start3A_16 = tpu.memref_slice %arg4[%add3A, %dma_start3A_14, %dma_start3A_15] : memref<32x80x125xi32, #tpu.memory_space<hbm>> -> memref<1x80x125xi32, #tpu.memory_space<hbm>>
    %dma_start3A_17 = tpu.memref_squeeze %dma_start3A_16 : memref<1x80x125xi32, #tpu.memory_space<hbm>> -> memref<80x125xi32, #tpu.memory_space<hbm>>
    tpu.enqueue_dma source(%dma_start3A_17 : memref<80x125xi32, #tpu.memory_space<hbm>>) target(%arg8 : memref<80x125xi32, #tpu.memory_space<vmem>>) target_semaphore(%arg11 : memref<!tpu.dma_semaphore, #tpu.memory_space<semaphore_mem>>)
    %lt3A = arith.constant 15 : i32
    %lt3A_18 = arith.cmpi slt, %arg1, %lt3A : i32
    %convert_element_type3A = arith.extui %lt3A_18 : i1 to i32
    %cond3A = arith.constant 0 : i32
    %cond3A_19 = arith.cmpi ne, %convert_element_type3A, %cond3A : i32
    scf.if %cond3A_19 {
      "tpu.region"() ({
        %run_scoped3A = tpu.sem_alloc : memref<!tpu.dma_semaphore, #tpu.memory_space<semaphore_mem>>
        %dma_start3A_55 = arith.constant 0 : i32
        %dma_start3A_56 = tpu.memref_slice %arg10[%multiple_of3A, %dma_start3A_55] : memref<10000x128xf32, #tpu.memory_space<vmem_shared>> -> memref<632x128xf32, #tpu.memory_space<vmem_shared>>
        %dma_start3A_57 = arith.constant 0 : i32
        %dma_start3A_58 = tpu.memref_slice %arg5[%multiple_of3A, %dma_start3A_57] : memref<10000x128xf32, #tpu.memory_space<hbm>> -> memref<632x128xf32, #tpu.memory_space<hbm>>
        tpu.enqueue_dma source(%dma_start3A_58 : memref<632x128xf32, #tpu.memory_space<hbm>>) target(%dma_start3A_56 : memref<632x128xf32, #tpu.memory_space<vmem_shared>>) target_semaphore(%run_scoped3A : memref<!tpu.dma_semaphore, #tpu.memory_space<semaphore_mem>>)
        %dma_wait3A_59 = arith.constant 0 : i32
        %dma_wait3A_60 = tpu.memref_slice %arg10[%multiple_of3A, %dma_wait3A_59] : memref<10000x128xf32, #tpu.memory_space<vmem_shared>> -> memref<632x128xf32, #tpu.memory_space<vmem_shared>>
        %dma_wait3A_61 = arith.constant 0 : i32
        %dma_wait3A_62 = tpu.memref_slice %arg5[%multiple_of3A, %dma_wait3A_61] : memref<10000x128xf32, #tpu.memory_space<hbm>> -> memref<632x128xf32, #tpu.memory_space<hbm>>
        tpu.wait_dma2 semaphore(%run_scoped3A : memref<!tpu.dma_semaphore, #tpu.memory_space<semaphore_mem>>) src(%dma_wait3A_62 : memref<632x128xf32, #tpu.memory_space<hbm>>) dst(%dma_wait3A_60 : memref<632x128xf32, #tpu.memory_space<vmem_shared>>)
        tpu.yield
      }) : () -> ()
    } else {
    }
    %eq3A = arith.constant 15 : i32
    %eq3A_20 = arith.cmpi eq, %arg1, %eq3A : i32
    %convert_element_type3A_21 = arith.extui %eq3A_20 : i1 to i32
    %cond3A_22 = arith.constant 0 : i32
    %cond3A_23 = arith.cmpi ne, %convert_element_type3A_21, %cond3A_22 : i32
    scf.if %cond3A_23 {
      "tpu.region"() ({
        %run_scoped3A = tpu.sem_alloc : memref<!tpu.dma_semaphore, #tpu.memory_space<semaphore_mem>>
        %dma_start3A_55 = arith.constant 0 : i32
        %dma_start3A_56 = tpu.memref_slice %arg10[%multiple_of3A, %dma_start3A_55] : memref<10000x128xf32, #tpu.memory_space<vmem_shared>> -> memref<520x128xf32, #tpu.memory_space<vmem_shared>>
        %dma_start3A_57 = arith.constant 0 : i32
        %dma_start3A_58 = tpu.memref_slice %arg5[%multiple_of3A, %dma_start3A_57] : memref<10000x128xf32, #tpu.memory_space<hbm>> -> memref<520x128xf32, #tpu.memory_space<hbm>>
        tpu.enqueue_dma source(%dma_start3A_58 : memref<520x128xf32, #tpu.memory_space<hbm>>) target(%dma_start3A_56 : memref<520x128xf32, #tpu.memory_space<vmem_shared>>) target_semaphore(%run_scoped3A : memref<!tpu.dma_semaphore, #tpu.memory_space<semaphore_mem>>)
        %dma_wait3A_59 = arith.constant 0 : i32
        %dma_wait3A_60 = tpu.memref_slice %arg10[%multiple_of3A, %dma_wait3A_59] : memref<10000x128xf32, #tpu.memory_space<vmem_shared>> -> memref<520x128xf32, #tpu.memory_space<vmem_shared>>
        %dma_wait3A_61 = arith.constant 0 : i32
        %dma_wait3A_62 = tpu.memref_slice %arg5[%multiple_of3A, %dma_wait3A_61] : memref<10000x128xf32, #tpu.memory_space<hbm>> -> memref<520x128xf32, #tpu.memory_space<hbm>>
        tpu.wait_dma2 semaphore(%run_scoped3A : memref<!tpu.dma_semaphore, #tpu.memory_space<semaphore_mem>>) src(%dma_wait3A_62 : memref<520x128xf32, #tpu.memory_space<hbm>>) dst(%dma_wait3A_60 : memref<520x128xf32, #tpu.memory_space<vmem_shared>>)
        tpu.yield
      }) : () -> ()
    } else {
    }
    %dma_wait3A = arith.constant 0 : i32
    %dma_wait3A_24 = arith.constant 0 : i32
    %dma_wait3A_25 = tpu.memref_slice %arg3[%add3A, %dma_wait3A, %dma_wait3A_24] : memref<32x80x125xi32, #tpu.memory_space<hbm>> -> memref<1x80x125xi32, #tpu.memory_space<hbm>>
    %dma_wait3A_26 = tpu.memref_squeeze %dma_wait3A_25 : memref<1x80x125xi32, #tpu.memory_space<hbm>> -> memref<80x125xi32, #tpu.memory_space<hbm>>
    %dma_wait3A_27 = arith.constant 0 : i32
    %dma_wait3A_28 = arith.constant 0 : i32
    %dma_wait3A_29 = tpu.memref_slice %arg3[%add3A, %dma_wait3A_27, %dma_wait3A_28] : memref<32x80x125xi32, #tpu.memory_space<hbm>> -> memref<1x80x125xi32, #tpu.memory_space<hbm>>
    %dma_wait3A_30 = tpu.memref_squeeze %dma_wait3A_29 : memref<1x80x125xi32, #tpu.memory_space<hbm>> -> memref<80x125xi32, #tpu.memory_space<hbm>>
    tpu.wait_dma2 semaphore(%arg11 : memref<!tpu.dma_semaphore, #tpu.memory_space<semaphore_mem>>) src(%dma_wait3A_30 : memref<80x125xi32, #tpu.memory_space<hbm>>) dst(%arg7 : memref<80x125xi32, #tpu.memory_space<vmem>>)
    %dma_wait3A_31 = arith.constant 0 : i32
    %dma_wait3A_32 = arith.constant 0 : i32
    %dma_wait3A_33 = tpu.memref_slice %arg4[%add3A, %dma_wait3A_31, %dma_wait3A_32] : memref<32x80x125xi32, #tpu.memory_space<hbm>> -> memref<1x80x125xi32, #tpu.memory_space<hbm>>
    %dma_wait3A_34 = tpu.memref_squeeze %dma_wait3A_33 : memref<1x80x125xi32, #tpu.memory_space<hbm>> -> memref<80x125xi32, #tpu.memory_space<hbm>>
    %dma_wait3A_35 = arith.constant 0 : i32
    %dma_wait3A_36 = arith.constant 0 : i32
    %dma_wait3A_37 = tpu.memref_slice %arg4[%add3A, %dma_wait3A_35, %dma_wait3A_36] : memref<32x80x125xi32, #tpu.memory_space<hbm>> -> memref<1x80x125xi32, #tpu.memory_space<hbm>>
    %dma_wait3A_38 = tpu.memref_squeeze %dma_wait3A_37 : memref<1x80x125xi32, #tpu.memory_space<hbm>> -> memref<80x125xi32, #tpu.memory_space<hbm>>
    tpu.wait_dma2 semaphore(%arg11 : memref<!tpu.dma_semaphore, #tpu.memory_space<semaphore_mem>>) src(%dma_wait3A_38 : memref<80x125xi32, #tpu.memory_space<hbm>>) dst(%arg8 : memref<80x125xi32, #tpu.memory_space<vmem>>)
    %barrier3A = arith.constant 0 : index
    tpu.barrier barrier_id(%barrier3A)
    %scan3A = arith.constant 0 : i32
    %scan3A_39 = arith.constant 0 : i32
    %scan3A_40 = arith.constant 80 : i32
    %scan3A_41 = arith.addi %scan3A_39, %scan3A_40 : i32
    %scan3A_42 = arith.constant 1 : i32
    scf.for %scan3A_55 = %scan3A_39 to %scan3A_41 step %scan3A_42  : i32 {
      %dma_start3A_56 = arith.constant 0 : i32
      %dma_start3A_57 = tpu.memref_slice %arg7[%scan3A_55, %dma_start3A_56] : memref<80x125xi32, #tpu.memory_space<vmem>> -> memref<1x125xi32, #tpu.memory_space<vmem>>
      %dma_start3A_58 = tpu.memref_squeeze %dma_start3A_57 : memref<1x125xi32, #tpu.memory_space<vmem>> -> memref<125xi32, #tpu.memory_space<vmem>>
      %dma_start3A_59 = arith.constant 0 : i32
      %dma_start3A_60 = arith.constant 0 : i32
      %dma_start3A_61 = tpu.memref_slice %arg2[%dma_start3A_59, %dma_start3A_60] : memref<10000x128xf32, #tpu.memory_space<hbm>> -> memref<10000x128xf32, #tpu.memory_space<hbm>>
      tpu.enqueue_indirect_dma source(%dma_start3A_61 : memref<10000x128xf32, #tpu.memory_space<hbm>>) target(%arg9 : memref<125x128xf32, #tpu.memory_space<vmem>>) offsets(%dma_start3A_58 : memref<125xi32, #tpu.memory_space<vmem>>) semaphore(%arg11 : memref<!tpu.dma_semaphore, #tpu.memory_space<semaphore_mem>>)
      %dma_wait3A_62 = arith.constant 0 : i32
      %dma_wait3A_63 = tpu.memref_slice %arg7[%scan3A_55, %dma_wait3A_62] : memref<80x125xi32, #tpu.memory_space<vmem>> -> memref<1x125xi32, #tpu.memory_space<vmem>>
      %dma_wait3A_64 = tpu.memref_squeeze %dma_wait3A_63 : memref<1x125xi32, #tpu.memory_space<vmem>> -> memref<125xi32, #tpu.memory_space<vmem>>
      %dma_wait3A_65 = arith.constant 0 : i32
      %dma_wait3A_66 = arith.constant 0 : i32
      %dma_wait3A_67 = tpu.memref_slice %arg2[%dma_wait3A_65, %dma_wait3A_66] : memref<10000x128xf32, #tpu.memory_space<hbm>> -> memref<10000x128xf32, #tpu.memory_space<hbm>>
      tpu.wait_indirect_dma semaphore(%arg11 : memref<!tpu.dma_semaphore, #tpu.memory_space<semaphore_mem>>) src(%dma_wait3A_67 : memref<10000x128xf32, #tpu.memory_space<hbm>>) dst(%arg9 : memref<125x128xf32, #tpu.memory_space<vmem>>)
      "tpu.region"() ({
        %run_scoped3A = tpu.sem_alloc : memref<!tpu.dma_semaphore, #tpu.memory_space<semaphore_mem>>
        %dma_start3A_68 = arith.constant 0 : i32
        %dma_start3A_69 = tpu.memref_slice %arg8[%scan3A_55, %dma_start3A_68] : memref<80x125xi32, #tpu.memory_space<vmem>> -> memref<1x125xi32, #tpu.memory_space<vmem>>
        %dma_start3A_70 = tpu.memref_squeeze %dma_start3A_69 : memref<1x125xi32, #tpu.memory_space<vmem>> -> memref<125xi32, #tpu.memory_space<vmem>>
        %dma_start3A_71 = arith.constant 0 : i32
        %dma_start3A_72 = arith.constant 0 : i32
        %dma_start3A_73 = tpu.memref_slice %arg10[%dma_start3A_71, %dma_start3A_72] : memref<10000x128xf32, #tpu.memory_space<vmem_shared>> -> memref<10000x128xf32, #tpu.memory_space<vmem_shared>>
        tpu.enqueue_indirect_dma source(%arg9 : memref<125x128xf32, #tpu.memory_space<vmem>>) target(%dma_start3A_73 : memref<10000x128xf32, #tpu.memory_space<vmem_shared>>) offsets(%dma_start3A_70 : memref<125xi32, #tpu.memory_space<vmem>>) semaphore(%run_scoped3A : memref<!tpu.dma_semaphore, #tpu.memory_space<semaphore_mem>>) {add = true}
        %dma_wait3A_74 = arith.constant 0 : i32
        %dma_wait3A_75 = tpu.memref_slice %arg8[%scan3A_55, %dma_wait3A_74] : memref<80x125xi32, #tpu.memory_space<vmem>> -> memref<1x125xi32, #tpu.memory_space<vmem>>
        %dma_wait3A_76 = tpu.memref_squeeze %dma_wait3A_75 : memref<1x125xi32, #tpu.memory_space<vmem>> -> memref<125xi32, #tpu.memory_space<vmem>>
        %dma_wait3A_77 = arith.constant 0 : i32
        %dma_wait3A_78 = arith.constant 0 : i32
        %dma_wait3A_79 = tpu.memref_slice %arg10[%dma_wait3A_77, %dma_wait3A_78] : memref<10000x128xf32, #tpu.memory_space<vmem_shared>> -> memref<10000x128xf32, #tpu.memory_space<vmem_shared>>
        tpu.wait_indirect_dma semaphore(%run_scoped3A : memref<!tpu.dma_semaphore, #tpu.memory_space<semaphore_mem>>) src(%arg9 : memref<125x128xf32, #tpu.memory_space<vmem>>) dst(%dma_wait3A_79 : memref<10000x128xf32, #tpu.memory_space<vmem_shared>>)
        tpu.yield
      }) : () -> ()
    }
    %scan3A_43 = arith.constant 80 : i32
    %barrier3A_44 = arith.constant 0 : index
    tpu.barrier barrier_id(%barrier3A_44)
    %lt3A_45 = arith.constant 15 : i32
    %lt3A_46 = arith.cmpi slt, %arg1, %lt3A_45 : i32
    %convert_element_type3A_47 = arith.extui %lt3A_46 : i1 to i32
    %cond3A_48 = arith.constant 0 : i32
    %cond3A_49 = arith.cmpi ne, %convert_element_type3A_47, %cond3A_48 : i32
    scf.if %cond3A_49 {
      "tpu.region"() ({
        %run_scoped3A = tpu.sem_alloc : memref<!tpu.dma_semaphore, #tpu.memory_space<semaphore_mem>>
        %dma_start3A_55 = arith.constant 0 : i32
        %dma_start3A_56 = tpu.memref_slice %arg6[%arg0, %multiple_of3A, %dma_start3A_55] : memref<2x10000x128xf32, #tpu.memory_space<hbm>> -> memref<1x632x128xf32, #tpu.memory_space<hbm>>
        %dma_start3A_57 = tpu.memref_squeeze %dma_start3A_56 : memref<1x632x128xf32, #tpu.memory_space<hbm>> -> memref<632x128xf32, #tpu.memory_space<hbm>>
        %dma_start3A_58 = arith.constant 0 : i32
        %dma_start3A_59 = tpu.memref_slice %arg10[%multiple_of3A, %dma_start3A_58] : memref<10000x128xf32, #tpu.memory_space<vmem_shared>> -> memref<632x128xf32, #tpu.memory_space<vmem_shared>>
        tpu.enqueue_dma source(%dma_start3A_59 : memref<632x128xf32, #tpu.memory_space<vmem_shared>>) target(%dma_start3A_57 : memref<632x128xf32, #tpu.memory_space<hbm>>) target_semaphore(%run_scoped3A : memref<!tpu.dma_semaphore, #tpu.memory_space<semaphore_mem>>)
        %dma_wait3A_60 = arith.constant 0 : i32
        %dma_wait3A_61 = tpu.memref_slice %arg6[%arg0, %multiple_of3A, %dma_wait3A_60] : memref<2x10000x128xf32, #tpu.memory_space<hbm>> -> memref<1x632x128xf32, #tpu.memory_space<hbm>>
        %dma_wait3A_62 = tpu.memref_squeeze %dma_wait3A_61 : memref<1x632x128xf32, #tpu.memory_space<hbm>> -> memref<632x128xf32, #tpu.memory_space<hbm>>
        %dma_wait3A_63 = arith.constant 0 : i32
        %dma_wait3A_64 = tpu.memref_slice %arg10[%multiple_of3A, %dma_wait3A_63] : memref<10000x128xf32, #tpu.memory_space<vmem_shared>> -> memref<632x128xf32, #tpu.memory_space<vmem_shared>>
        tpu.wait_dma2 semaphore(%run_scoped3A : memref<!tpu.dma_semaphore, #tpu.memory_space<semaphore_mem>>) src(%dma_wait3A_64 : memref<632x128xf32, #tpu.memory_space<vmem_shared>>) dst(%dma_wait3A_62 : memref<632x128xf32, #tpu.memory_space<hbm>>)
        tpu.yield
      }) : () -> ()
    } else {
    }
    %eq3A_50 = arith.constant 15 : i32
    %eq3A_51 = arith.cmpi eq, %arg1, %eq3A_50 : i32
    %convert_element_type3A_52 = arith.extui %eq3A_51 : i1 to i32
    %cond3A_53 = arith.constant 0 : i32
    %cond3A_54 = arith.cmpi ne, %convert_element_type3A_52, %cond3A_53 : i32
    scf.if %cond3A_54 {
      "tpu.region"() ({
        %run_scoped3A = tpu.sem_alloc : memref<!tpu.dma_semaphore, #tpu.memory_space<semaphore_mem>>
        %dma_start3A_55 = arith.constant 0 : i32
        %dma_start3A_56 = tpu.memref_slice %arg6[%arg0, %multiple_of3A, %dma_start3A_55] : memref<2x10000x128xf32, #tpu.memory_space<hbm>> -> memref<1x520x128xf32, #tpu.memory_space<hbm>>
        %dma_start3A_57 = tpu.memref_squeeze %dma_start3A_56 : memref<1x520x128xf32, #tpu.memory_space<hbm>> -> memref<520x128xf32, #tpu.memory_space<hbm>>
        %dma_start3A_58 = arith.constant 0 : i32
        %dma_start3A_59 = tpu.memref_slice %arg10[%multiple_of3A, %dma_start3A_58] : memref<10000x128xf32, #tpu.memory_space<vmem_shared>> -> memref<520x128xf32, #tpu.memory_space<vmem_shared>>
        tpu.enqueue_dma source(%dma_start3A_59 : memref<520x128xf32, #tpu.memory_space<vmem_shared>>) target(%dma_start3A_57 : memref<520x128xf32, #tpu.memory_space<hbm>>) target_semaphore(%run_scoped3A : memref<!tpu.dma_semaphore, #tpu.memory_space<semaphore_mem>>)
        %dma_wait3A_60 = arith.constant 0 : i32
        %dma_wait3A_61 = tpu.memref_slice %arg6[%arg0, %multiple_of3A, %dma_wait3A_60] : memref<2x10000x128xf32, #tpu.memory_space<hbm>> -> memref<1x520x128xf32, #tpu.memory_space<hbm>>
        %dma_wait3A_62 = tpu.memref_squeeze %dma_wait3A_61 : memref<1x520x128xf32, #tpu.memory_space<hbm>> -> memref<520x128xf32, #tpu.memory_space<hbm>>
        %dma_wait3A_63 = arith.constant 0 : i32
        %dma_wait3A_64 = tpu.memref_slice %arg10[%multiple_of3A, %dma_wait3A_63] : memref<10000x128xf32, #tpu.memory_space<vmem_shared>> -> memref<520x128xf32, #tpu.memory_space<vmem_shared>>
        tpu.wait_dma2 semaphore(%run_scoped3A : memref<!tpu.dma_semaphore, #tpu.memory_space<semaphore_mem>>) src(%dma_wait3A_64 : memref<520x128xf32, #tpu.memory_space<vmem_shared>>) dst(%dma_wait3A_62 : memref<520x128xf32, #tpu.memory_space<hbm>>)
        tpu.yield
      }) : () -> ()
    } else {
    }
    return
  }
}

#map = affine_map<(d0, d1) -> (0, 0)>
#map1 = affine_map<(d0, d1) -> (0, 0, 0)>
#map2 = affine_map<(d0, d1) -> (0)>
module attributes {stable_mosaic.version = 14 : i64} {
  func.func @seg_sum(%arg0: i32, %arg1: i32, %arg2: memref<10000x128xf32, #tpu.memory_space<hbm>>, %arg3: memref<32x80x125xi32, #tpu.memory_space<hbm>>, %arg4: memref<32x80x125xi32, #tpu.memory_space<hbm>>, %arg5: memref<10000x128xf32, #tpu.memory_space<hbm>>, %arg6: memref<160xi32, #tpu.memory_space<hbm>>, %arg7: memref<2x10000x128xf32, #tpu.memory_space<hbm>>, %arg8: memref<160x128xf32, #tpu.memory_space<hbm>>, %arg9: memref<80x125xi32, #tpu.memory_space<vmem>>, %arg10: memref<80x125xi32, #tpu.memory_space<vmem>>, %arg11: memref<125x128xf32, #tpu.memory_space<vmem>>, %arg12: memref<10000x128xf32, #tpu.memory_space<vmem_shared>>, %arg13: memref<!tpu.dma_semaphore, #tpu.memory_space<semaphore_mem>>) attributes {dimension_semantics = [#tpu.dimension_semantics<core_parallel>, #tpu.dimension_semantics<subcore_parallel>], iteration_bounds = array<i64: 2, 16>, scalar_prefetch = 0 : i64, scratch_operands = 5 : i64, tpu.core_type = #tpu.core_type<sc_vector_subcore>, window_params = [{transform_indices = #map}, {transform_indices = #map1}, {transform_indices = #map1}, {transform_indices = #map}, {transform_indices = #map2}, {transform_indices = #map1}, {transform_indices = #map}]} {
    %mul3A = arith.constant 16 : i32
    %mul3A_0 = arith.muli %arg0, %mul3A : i32
    %add3A = arith.addi %mul3A_0, %arg1 : i32
    %mul3A_1 = arith.constant 632 : i32
    %mul3A_2 = arith.muli %arg1, %mul3A_1 : i32
    %multiple_of3A = tpu.assume_multiple %mul3A_2, 8 : i32
    %dma_start3A = arith.constant 0 : i32
    %dma_start3A_3 = arith.constant 0 : i32
    %dma_start3A_4 = tpu.memref_slice %arg3[%add3A, %dma_start3A, %dma_start3A_3] : memref<32x80x125xi32, #tpu.memory_space<hbm>> -> memref<1x80x125xi32, #tpu.memory_space<hbm>>
    %dma_start3A_5 = tpu.memref_squeeze %dma_start3A_4 : memref<1x80x125xi32, #tpu.memory_space<hbm>> -> memref<80x125xi32, #tpu.memory_space<hbm>>
    %dma_start3A_6 = arith.constant 0 : i32
    %dma_start3A_7 = arith.constant 0 : i32
    %dma_start3A_8 = tpu.memref_slice %arg3[%add3A, %dma_start3A_6, %dma_start3A_7] : memref<32x80x125xi32, #tpu.memory_space<hbm>> -> memref<1x80x125xi32, #tpu.memory_space<hbm>>
    %dma_start3A_9 = tpu.memref_squeeze %dma_start3A_8 : memref<1x80x125xi32, #tpu.memory_space<hbm>> -> memref<80x125xi32, #tpu.memory_space<hbm>>
    tpu.enqueue_dma source(%dma_start3A_9 : memref<80x125xi32, #tpu.memory_space<hbm>>) target(%arg9 : memref<80x125xi32, #tpu.memory_space<vmem>>) target_semaphore(%arg13 : memref<!tpu.dma_semaphore, #tpu.memory_space<semaphore_mem>>)
    %dma_start3A_10 = arith.constant 0 : i32
    %dma_start3A_11 = arith.constant 0 : i32
    %dma_start3A_12 = tpu.memref_slice %arg4[%add3A, %dma_start3A_10, %dma_start3A_11] : memref<32x80x125xi32, #tpu.memory_space<hbm>> -> memref<1x80x125xi32, #tpu.memory_space<hbm>>
    %dma_start3A_13 = tpu.memref_squeeze %dma_start3A_12 : memref<1x80x125xi32, #tpu.memory_space<hbm>> -> memref<80x125xi32, #tpu.memory_space<hbm>>
    %dma_start3A_14 = arith.constant 0 : i32
    %dma_start3A_15 = arith.constant 0 : i32
    %dma_start3A_16 = tpu.memref_slice %arg4[%add3A, %dma_start3A_14, %dma_start3A_15] : memref<32x80x125xi32, #tpu.memory_space<hbm>> -> memref<1x80x125xi32, #tpu.memory_space<hbm>>
    %dma_start3A_17 = tpu.memref_squeeze %dma_start3A_16 : memref<1x80x125xi32, #tpu.memory_space<hbm>> -> memref<80x125xi32, #tpu.memory_space<hbm>>
    tpu.enqueue_dma source(%dma_start3A_17 : memref<80x125xi32, #tpu.memory_space<hbm>>) target(%arg10 : memref<80x125xi32, #tpu.memory_space<vmem>>) target_semaphore(%arg13 : memref<!tpu.dma_semaphore, #tpu.memory_space<semaphore_mem>>)
    %lt3A = arith.constant 15 : i32
    %lt3A_18 = arith.cmpi slt, %arg1, %lt3A : i32
    %convert_element_type3A = arith.extui %lt3A_18 : i1 to i32
    %cond3A = arith.constant 0 : i32
    %cond3A_19 = arith.cmpi ne, %convert_element_type3A, %cond3A : i32
    scf.if %cond3A_19 {
      "tpu.region"() ({
        %run_scoped3A = tpu.sem_alloc : memref<!tpu.dma_semaphore, #tpu.memory_space<semaphore_mem>>
        %dma_start3A_60 = arith.constant 0 : i32
        %dma_start3A_61 = tpu.memref_slice %arg12[%multiple_of3A, %dma_start3A_60] : memref<10000x128xf32, #tpu.memory_space<vmem_shared>> -> memref<632x128xf32, #tpu.memory_space<vmem_shared>>
        %dma_start3A_62 = arith.constant 0 : i32
        %dma_start3A_63 = tpu.memref_slice %arg5[%multiple_of3A, %dma_start3A_62] : memref<10000x128xf32, #tpu.memory_space<hbm>> -> memref<632x128xf32, #tpu.memory_space<hbm>>
        tpu.enqueue_dma source(%dma_start3A_63 : memref<632x128xf32, #tpu.memory_space<hbm>>) target(%dma_start3A_61 : memref<632x128xf32, #tpu.memory_space<vmem_shared>>) target_semaphore(%run_scoped3A : memref<!tpu.dma_semaphore, #tpu.memory_space<semaphore_mem>>)
        %dma_wait3A_64 = arith.constant 0 : i32
        %dma_wait3A_65 = tpu.memref_slice %arg12[%multiple_of3A, %dma_wait3A_64] : memref<10000x128xf32, #tpu.memory_space<vmem_shared>> -> memref<632x128xf32, #tpu.memory_space<vmem_shared>>
        %dma_wait3A_66 = arith.constant 0 : i32
        %dma_wait3A_67 = tpu.memref_slice %arg5[%multiple_of3A, %dma_wait3A_66] : memref<10000x128xf32, #tpu.memory_space<hbm>> -> memref<632x128xf32, #tpu.memory_space<hbm>>
        tpu.wait_dma2 semaphore(%run_scoped3A : memref<!tpu.dma_semaphore, #tpu.memory_space<semaphore_mem>>) src(%dma_wait3A_67 : memref<632x128xf32, #tpu.memory_space<hbm>>) dst(%dma_wait3A_65 : memref<632x128xf32, #tpu.memory_space<vmem_shared>>)
        tpu.yield
      }) : () -> ()
    } else {
    }
    %eq3A = arith.constant 15 : i32
    %eq3A_20 = arith.cmpi eq, %arg1, %eq3A : i32
    %convert_element_type3A_21 = arith.extui %eq3A_20 : i1 to i32
    %cond3A_22 = arith.constant 0 : i32
    %cond3A_23 = arith.cmpi ne, %convert_element_type3A_21, %cond3A_22 : i32
    scf.if %cond3A_23 {
      "tpu.region"() ({
        %run_scoped3A = tpu.sem_alloc : memref<!tpu.dma_semaphore, #tpu.memory_space<semaphore_mem>>
        %dma_start3A_60 = arith.constant 0 : i32
        %dma_start3A_61 = tpu.memref_slice %arg12[%multiple_of3A, %dma_start3A_60] : memref<10000x128xf32, #tpu.memory_space<vmem_shared>> -> memref<520x128xf32, #tpu.memory_space<vmem_shared>>
        %dma_start3A_62 = arith.constant 0 : i32
        %dma_start3A_63 = tpu.memref_slice %arg5[%multiple_of3A, %dma_start3A_62] : memref<10000x128xf32, #tpu.memory_space<hbm>> -> memref<520x128xf32, #tpu.memory_space<hbm>>
        tpu.enqueue_dma source(%dma_start3A_63 : memref<520x128xf32, #tpu.memory_space<hbm>>) target(%dma_start3A_61 : memref<520x128xf32, #tpu.memory_space<vmem_shared>>) target_semaphore(%run_scoped3A : memref<!tpu.dma_semaphore, #tpu.memory_space<semaphore_mem>>)
        %dma_wait3A_64 = arith.constant 0 : i32
        %dma_wait3A_65 = tpu.memref_slice %arg12[%multiple_of3A, %dma_wait3A_64] : memref<10000x128xf32, #tpu.memory_space<vmem_shared>> -> memref<520x128xf32, #tpu.memory_space<vmem_shared>>
        %dma_wait3A_66 = arith.constant 0 : i32
        %dma_wait3A_67 = tpu.memref_slice %arg5[%multiple_of3A, %dma_wait3A_66] : memref<10000x128xf32, #tpu.memory_space<hbm>> -> memref<520x128xf32, #tpu.memory_space<hbm>>
        tpu.wait_dma2 semaphore(%run_scoped3A : memref<!tpu.dma_semaphore, #tpu.memory_space<semaphore_mem>>) src(%dma_wait3A_67 : memref<520x128xf32, #tpu.memory_space<hbm>>) dst(%dma_wait3A_65 : memref<520x128xf32, #tpu.memory_space<vmem_shared>>)
        tpu.yield
      }) : () -> ()
    } else {
    }
    %dma_wait3A = arith.constant 0 : i32
    %dma_wait3A_24 = arith.constant 0 : i32
    %dma_wait3A_25 = tpu.memref_slice %arg3[%add3A, %dma_wait3A, %dma_wait3A_24] : memref<32x80x125xi32, #tpu.memory_space<hbm>> -> memref<1x80x125xi32, #tpu.memory_space<hbm>>
    %dma_wait3A_26 = tpu.memref_squeeze %dma_wait3A_25 : memref<1x80x125xi32, #tpu.memory_space<hbm>> -> memref<80x125xi32, #tpu.memory_space<hbm>>
    %dma_wait3A_27 = arith.constant 0 : i32
    %dma_wait3A_28 = arith.constant 0 : i32
    %dma_wait3A_29 = tpu.memref_slice %arg3[%add3A, %dma_wait3A_27, %dma_wait3A_28] : memref<32x80x125xi32, #tpu.memory_space<hbm>> -> memref<1x80x125xi32, #tpu.memory_space<hbm>>
    %dma_wait3A_30 = tpu.memref_squeeze %dma_wait3A_29 : memref<1x80x125xi32, #tpu.memory_space<hbm>> -> memref<80x125xi32, #tpu.memory_space<hbm>>
    tpu.wait_dma2 semaphore(%arg13 : memref<!tpu.dma_semaphore, #tpu.memory_space<semaphore_mem>>) src(%dma_wait3A_30 : memref<80x125xi32, #tpu.memory_space<hbm>>) dst(%arg9 : memref<80x125xi32, #tpu.memory_space<vmem>>)
    %dma_wait3A_31 = arith.constant 0 : i32
    %dma_wait3A_32 = arith.constant 0 : i32
    %dma_wait3A_33 = tpu.memref_slice %arg4[%add3A, %dma_wait3A_31, %dma_wait3A_32] : memref<32x80x125xi32, #tpu.memory_space<hbm>> -> memref<1x80x125xi32, #tpu.memory_space<hbm>>
    %dma_wait3A_34 = tpu.memref_squeeze %dma_wait3A_33 : memref<1x80x125xi32, #tpu.memory_space<hbm>> -> memref<80x125xi32, #tpu.memory_space<hbm>>
    %dma_wait3A_35 = arith.constant 0 : i32
    %dma_wait3A_36 = arith.constant 0 : i32
    %dma_wait3A_37 = tpu.memref_slice %arg4[%add3A, %dma_wait3A_35, %dma_wait3A_36] : memref<32x80x125xi32, #tpu.memory_space<hbm>> -> memref<1x80x125xi32, #tpu.memory_space<hbm>>
    %dma_wait3A_38 = tpu.memref_squeeze %dma_wait3A_37 : memref<1x80x125xi32, #tpu.memory_space<hbm>> -> memref<80x125xi32, #tpu.memory_space<hbm>>
    tpu.wait_dma2 semaphore(%arg13 : memref<!tpu.dma_semaphore, #tpu.memory_space<semaphore_mem>>) src(%dma_wait3A_38 : memref<80x125xi32, #tpu.memory_space<hbm>>) dst(%arg10 : memref<80x125xi32, #tpu.memory_space<vmem>>)
    %barrier3A = arith.constant 0 : index
    tpu.barrier barrier_id(%barrier3A)
    %scan3A = arith.constant 0 : i32
    %scan3A_39 = arith.constant 0 : i32
    %scan3A_40 = arith.constant 80 : i32
    %scan3A_41 = arith.addi %scan3A_39, %scan3A_40 : i32
    %scan3A_42 = arith.constant 1 : i32
    scf.for %scan3A_60 = %scan3A_39 to %scan3A_41 step %scan3A_42  : i32 {
      %dma_start3A_61 = arith.constant 0 : i32
      %dma_start3A_62 = tpu.memref_slice %arg9[%scan3A_60, %dma_start3A_61] : memref<80x125xi32, #tpu.memory_space<vmem>> -> memref<1x125xi32, #tpu.memory_space<vmem>>
      %dma_start3A_63 = tpu.memref_squeeze %dma_start3A_62 : memref<1x125xi32, #tpu.memory_space<vmem>> -> memref<125xi32, #tpu.memory_space<vmem>>
      %dma_start3A_64 = arith.constant 0 : i32
      %dma_start3A_65 = arith.constant 0 : i32
      %dma_start3A_66 = tpu.memref_slice %arg2[%dma_start3A_64, %dma_start3A_65] : memref<10000x128xf32, #tpu.memory_space<hbm>> -> memref<10000x128xf32, #tpu.memory_space<hbm>>
      tpu.enqueue_indirect_dma source(%dma_start3A_66 : memref<10000x128xf32, #tpu.memory_space<hbm>>) target(%arg11 : memref<125x128xf32, #tpu.memory_space<vmem>>) offsets(%dma_start3A_63 : memref<125xi32, #tpu.memory_space<vmem>>) semaphore(%arg13 : memref<!tpu.dma_semaphore, #tpu.memory_space<semaphore_mem>>)
      %dma_wait3A_67 = arith.constant 0 : i32
      %dma_wait3A_68 = tpu.memref_slice %arg9[%scan3A_60, %dma_wait3A_67] : memref<80x125xi32, #tpu.memory_space<vmem>> -> memref<1x125xi32, #tpu.memory_space<vmem>>
      %dma_wait3A_69 = tpu.memref_squeeze %dma_wait3A_68 : memref<1x125xi32, #tpu.memory_space<vmem>> -> memref<125xi32, #tpu.memory_space<vmem>>
      %dma_wait3A_70 = arith.constant 0 : i32
      %dma_wait3A_71 = arith.constant 0 : i32
      %dma_wait3A_72 = tpu.memref_slice %arg2[%dma_wait3A_70, %dma_wait3A_71] : memref<10000x128xf32, #tpu.memory_space<hbm>> -> memref<10000x128xf32, #tpu.memory_space<hbm>>
      tpu.wait_indirect_dma semaphore(%arg13 : memref<!tpu.dma_semaphore, #tpu.memory_space<semaphore_mem>>) src(%dma_wait3A_72 : memref<10000x128xf32, #tpu.memory_space<hbm>>) dst(%arg11 : memref<125x128xf32, #tpu.memory_space<vmem>>)
      "tpu.region"() ({
        %run_scoped3A = tpu.sem_alloc : memref<!tpu.dma_semaphore, #tpu.memory_space<semaphore_mem>>
        %dma_start3A_73 = arith.constant 0 : i32
        %dma_start3A_74 = tpu.memref_slice %arg10[%scan3A_60, %dma_start3A_73] : memref<80x125xi32, #tpu.memory_space<vmem>> -> memref<1x125xi32, #tpu.memory_space<vmem>>
        %dma_start3A_75 = tpu.memref_squeeze %dma_start3A_74 : memref<1x125xi32, #tpu.memory_space<vmem>> -> memref<125xi32, #tpu.memory_space<vmem>>
        %dma_start3A_76 = arith.constant 0 : i32
        %dma_start3A_77 = arith.constant 0 : i32
        %dma_start3A_78 = tpu.memref_slice %arg12[%dma_start3A_76, %dma_start3A_77] : memref<10000x128xf32, #tpu.memory_space<vmem_shared>> -> memref<10000x128xf32, #tpu.memory_space<vmem_shared>>
        tpu.enqueue_indirect_dma source(%arg11 : memref<125x128xf32, #tpu.memory_space<vmem>>) target(%dma_start3A_78 : memref<10000x128xf32, #tpu.memory_space<vmem_shared>>) offsets(%dma_start3A_75 : memref<125xi32, #tpu.memory_space<vmem>>) semaphore(%run_scoped3A : memref<!tpu.dma_semaphore, #tpu.memory_space<semaphore_mem>>) {add = true}
        %dma_wait3A_79 = arith.constant 0 : i32
        %dma_wait3A_80 = tpu.memref_slice %arg10[%scan3A_60, %dma_wait3A_79] : memref<80x125xi32, #tpu.memory_space<vmem>> -> memref<1x125xi32, #tpu.memory_space<vmem>>
        %dma_wait3A_81 = tpu.memref_squeeze %dma_wait3A_80 : memref<1x125xi32, #tpu.memory_space<vmem>> -> memref<125xi32, #tpu.memory_space<vmem>>
        %dma_wait3A_82 = arith.constant 0 : i32
        %dma_wait3A_83 = arith.constant 0 : i32
        %dma_wait3A_84 = tpu.memref_slice %arg12[%dma_wait3A_82, %dma_wait3A_83] : memref<10000x128xf32, #tpu.memory_space<vmem_shared>> -> memref<10000x128xf32, #tpu.memory_space<vmem_shared>>
        tpu.wait_indirect_dma semaphore(%run_scoped3A : memref<!tpu.dma_semaphore, #tpu.memory_space<semaphore_mem>>) src(%arg11 : memref<125x128xf32, #tpu.memory_space<vmem>>) dst(%dma_wait3A_84 : memref<10000x128xf32, #tpu.memory_space<vmem_shared>>)
        tpu.yield
      }) : () -> ()
    }
    %scan3A_43 = arith.constant 80 : i32
    %lt3A_44 = arith.constant 2 : i32
    %lt3A_45 = arith.cmpi slt, %add3A, %lt3A_44 : i32
    %convert_element_type3A_46 = arith.extui %lt3A_45 : i1 to i32
    %cond3A_47 = arith.constant 0 : i32
    %cond3A_48 = arith.cmpi ne, %convert_element_type3A_46, %cond3A_47 : i32
    scf.if %cond3A_48 {
      %mul3A_60 = arith.constant 80 : i32
      %mul3A_61 = arith.muli %add3A, %mul3A_60 : i32
      %multiple_of3A_62 = tpu.assume_multiple %mul3A_61, 8 : i32
      %run_scoped3A = arith.constant 0 : i32
      "tpu.region"() ({
        %run_scoped3A_83 = tpu.sem_alloc : memref<!tpu.dma_semaphore, #tpu.memory_space<semaphore_mem>>
        %dma_start3A_84 = arith.constant 0 : i32
        %dma_start3A_85 = tpu.memref_slice %arg9[%run_scoped3A, %dma_start3A_84] : memref<80x125xi32, #tpu.memory_space<vmem>> -> memref<1x80xi32, #tpu.memory_space<vmem>>
        %dma_start3A_86 = tpu.memref_squeeze %dma_start3A_85 : memref<1x80xi32, #tpu.memory_space<vmem>> -> memref<80xi32, #tpu.memory_space<vmem>>
        %dma_start3A_87 = tpu.memref_slice %arg6[%multiple_of3A_62] : memref<160xi32, #tpu.memory_space<hbm>> -> memref<80xi32, #tpu.memory_space<hbm>>
        %dma_start3A_88 = arith.constant 0 : i32
        %dma_start3A_89 = tpu.memref_slice %arg9[%run_scoped3A, %dma_start3A_88] : memref<80x125xi32, #tpu.memory_space<vmem>> -> memref<1x80xi32, #tpu.memory_space<vmem>>
        %dma_start3A_90 = tpu.memref_squeeze %dma_start3A_89 : memref<1x80xi32, #tpu.memory_space<vmem>> -> memref<80xi32, #tpu.memory_space<vmem>>
        %dma_start3A_91 = tpu.memref_slice %arg6[%multiple_of3A_62] : memref<160xi32, #tpu.memory_space<hbm>> -> memref<80xi32, #tpu.memory_space<hbm>>
        tpu.enqueue_dma source(%dma_start3A_91 : memref<80xi32, #tpu.memory_space<hbm>>) target(%dma_start3A_90 : memref<80xi32, #tpu.memory_space<vmem>>) target_semaphore(%run_scoped3A_83 : memref<!tpu.dma_semaphore, #tpu.memory_space<semaphore_mem>>)
        %dma_wait3A_92 = arith.constant 0 : i32
        %dma_wait3A_93 = tpu.memref_slice %arg9[%run_scoped3A, %dma_wait3A_92] : memref<80x125xi32, #tpu.memory_space<vmem>> -> memref<1x80xi32, #tpu.memory_space<vmem>>
        %dma_wait3A_94 = tpu.memref_squeeze %dma_wait3A_93 : memref<1x80xi32, #tpu.memory_space<vmem>> -> memref<80xi32, #tpu.memory_space<vmem>>
        %dma_wait3A_95 = tpu.memref_slice %arg6[%multiple_of3A_62] : memref<160xi32, #tpu.memory_space<hbm>> -> memref<80xi32, #tpu.memory_space<hbm>>
        %dma_wait3A_96 = arith.constant 0 : i32
        %dma_wait3A_97 = tpu.memref_slice %arg9[%run_scoped3A, %dma_wait3A_96] : memref<80x125xi32, #tpu.memory_space<vmem>> -> memref<1x80xi32, #tpu.memory_space<vmem>>
        %dma_wait3A_98 = tpu.memref_squeeze %dma_wait3A_97 : memref<1x80xi32, #tpu.memory_space<vmem>> -> memref<80xi32, #tpu.memory_space<vmem>>
        %dma_wait3A_99 = tpu.memref_slice %arg6[%multiple_of3A_62] : memref<160xi32, #tpu.memory_space<hbm>> -> memref<80xi32, #tpu.memory_space<hbm>>
        tpu.wait_dma2 semaphore(%run_scoped3A_83 : memref<!tpu.dma_semaphore, #tpu.memory_space<semaphore_mem>>) src(%dma_wait3A_99 : memref<80xi32, #tpu.memory_space<hbm>>) dst(%dma_wait3A_98 : memref<80xi32, #tpu.memory_space<vmem>>)
        tpu.yield
      }) : () -> ()
      %dma_start3A_63 = arith.constant 0 : i32
      %dma_start3A_64 = arith.constant 0 : i32
      %dma_start3A_65 = arith.constant 0 : i32
      %dma_start3A_66 = tpu.memref_slice %arg11[%dma_start3A_64, %dma_start3A_65] : memref<125x128xf32, #tpu.memory_space<vmem>> -> memref<80x128xf32, #tpu.memory_space<vmem>>
      %dma_start3A_67 = arith.constant 0 : i32
      %dma_start3A_68 = tpu.memref_slice %arg9[%dma_start3A_63, %dma_start3A_67] : memref<80x125xi32, #tpu.memory_space<vmem>> -> memref<1x80xi32, #tpu.memory_space<vmem>>
      %dma_start3A_69 = tpu.memref_squeeze %dma_start3A_68 : memref<1x80xi32, #tpu.memory_space<vmem>> -> memref<80xi32, #tpu.memory_space<vmem>>
      %dma_start3A_70 = arith.constant 0 : i32
      %dma_start3A_71 = arith.constant 0 : i32
      %dma_start3A_72 = tpu.memref_slice %arg2[%dma_start3A_70, %dma_start3A_71] : memref<10000x128xf32, #tpu.memory_space<hbm>> -> memref<10000x128xf32, #tpu.memory_space<hbm>>
      tpu.enqueue_indirect_dma source(%dma_start3A_72 : memref<10000x128xf32, #tpu.memory_space<hbm>>) target(%dma_start3A_66 : memref<80x128xf32, #tpu.memory_space<vmem>>) offsets(%dma_start3A_69 : memref<80xi32, #tpu.memory_space<vmem>>) semaphore(%arg13 : memref<!tpu.dma_semaphore, #tpu.memory_space<semaphore_mem>>)
      %dma_wait3A_73 = arith.constant 0 : i32
      %dma_wait3A_74 = arith.constant 0 : i32
      %dma_wait3A_75 = arith.constant 0 : i32
      %dma_wait3A_76 = tpu.memref_slice %arg11[%dma_wait3A_74, %dma_wait3A_75] : memref<125x128xf32, #tpu.memory_space<vmem>> -> memref<80x128xf32, #tpu.memory_space<vmem>>
      %dma_wait3A_77 = arith.constant 0 : i32
      %dma_wait3A_78 = tpu.memref_slice %arg9[%dma_wait3A_73, %dma_wait3A_77] : memref<80x125xi32, #tpu.memory_space<vmem>> -> memref<1x80xi32, #tpu.memory_space<vmem>>
      %dma_wait3A_79 = tpu.memref_squeeze %dma_wait3A_78 : memref<1x80xi32, #tpu.memory_space<vmem>> -> memref<80xi32, #tpu.memory_space<vmem>>
      %dma_wait3A_80 = arith.constant 0 : i32
      %dma_wait3A_81 = arith.constant 0 : i32
      %dma_wait3A_82 = tpu.memref_slice %arg2[%dma_wait3A_80, %dma_wait3A_81] : memref<10000x128xf32, #tpu.memory_space<hbm>> -> memref<10000x128xf32, #tpu.memory_space<hbm>>
      tpu.wait_indirect_dma semaphore(%arg13 : memref<!tpu.dma_semaphore, #tpu.memory_space<semaphore_mem>>) src(%dma_wait3A_82 : memref<10000x128xf32, #tpu.memory_space<hbm>>) dst(%dma_wait3A_76 : memref<80x128xf32, #tpu.memory_space<vmem>>)
      "tpu.region"() ({
        %run_scoped3A_83 = tpu.sem_alloc : memref<!tpu.dma_semaphore, #tpu.memory_space<semaphore_mem>>
        %dma_start3A_84 = arith.constant 0 : i32
        %dma_start3A_85 = arith.constant 0 : i32
        %dma_start3A_86 = tpu.memref_slice %arg11[%dma_start3A_84, %dma_start3A_85] : memref<125x128xf32, #tpu.memory_space<vmem>> -> memref<80x128xf32, #tpu.memory_space<vmem>>
        %dma_start3A_87 = arith.constant 0 : i32
        %dma_start3A_88 = tpu.memref_slice %arg8[%multiple_of3A_62, %dma_start3A_87] : memref<160x128xf32, #tpu.memory_space<hbm>> -> memref<80x128xf32, #tpu.memory_space<hbm>>
        %dma_start3A_89 = arith.constant 0 : i32
        %dma_start3A_90 = tpu.memref_slice %arg8[%multiple_of3A_62, %dma_start3A_89] : memref<160x128xf32, #tpu.memory_space<hbm>> -> memref<80x128xf32, #tpu.memory_space<hbm>>
        %dma_start3A_91 = arith.constant 0 : i32
        %dma_start3A_92 = arith.constant 0 : i32
        %dma_start3A_93 = tpu.memref_slice %arg11[%dma_start3A_91, %dma_start3A_92] : memref<125x128xf32, #tpu.memory_space<vmem>> -> memref<80x128xf32, #tpu.memory_space<vmem>>
        tpu.enqueue_dma source(%dma_start3A_93 : memref<80x128xf32, #tpu.memory_space<vmem>>) target(%dma_start3A_90 : memref<80x128xf32, #tpu.memory_space<hbm>>) target_semaphore(%run_scoped3A_83 : memref<!tpu.dma_semaphore, #tpu.memory_space<semaphore_mem>>)
        %dma_wait3A_94 = arith.constant 0 : i32
        %dma_wait3A_95 = arith.constant 0 : i32
        %dma_wait3A_96 = tpu.memref_slice %arg11[%dma_wait3A_94, %dma_wait3A_95] : memref<125x128xf32, #tpu.memory_space<vmem>> -> memref<80x128xf32, #tpu.memory_space<vmem>>
        %dma_wait3A_97 = arith.constant 0 : i32
        %dma_wait3A_98 = tpu.memref_slice %arg8[%multiple_of3A_62, %dma_wait3A_97] : memref<160x128xf32, #tpu.memory_space<hbm>> -> memref<80x128xf32, #tpu.memory_space<hbm>>
        %dma_wait3A_99 = arith.constant 0 : i32
        %dma_wait3A_100 = tpu.memref_slice %arg8[%multiple_of3A_62, %dma_wait3A_99] : memref<160x128xf32, #tpu.memory_space<hbm>> -> memref<80x128xf32, #tpu.memory_space<hbm>>
        %dma_wait3A_101 = arith.constant 0 : i32
        %dma_wait3A_102 = arith.constant 0 : i32
        %dma_wait3A_103 = tpu.memref_slice %arg11[%dma_wait3A_101, %dma_wait3A_102] : memref<125x128xf32, #tpu.memory_space<vmem>> -> memref<80x128xf32, #tpu.memory_space<vmem>>
        tpu.wait_dma2 semaphore(%run_scoped3A_83 : memref<!tpu.dma_semaphore, #tpu.memory_space<semaphore_mem>>) src(%dma_wait3A_103 : memref<80x128xf32, #tpu.memory_space<vmem>>) dst(%dma_wait3A_100 : memref<80x128xf32, #tpu.memory_space<hbm>>)
        tpu.yield
      }) : () -> ()
    } else {
    }
    %barrier3A_49 = arith.constant 0 : index
    tpu.barrier barrier_id(%barrier3A_49)
    %lt3A_50 = arith.constant 15 : i32
    %lt3A_51 = arith.cmpi slt, %arg1, %lt3A_50 : i32
    %convert_element_type3A_52 = arith.extui %lt3A_51 : i1 to i32
    %cond3A_53 = arith.constant 0 : i32
    %cond3A_54 = arith.cmpi ne, %convert_element_type3A_52, %cond3A_53 : i32
    scf.if %cond3A_54 {
      "tpu.region"() ({
        %run_scoped3A = tpu.sem_alloc : memref<!tpu.dma_semaphore, #tpu.memory_space<semaphore_mem>>
        %dma_start3A_60 = arith.constant 0 : i32
        %dma_start3A_61 = tpu.memref_slice %arg7[%arg0, %multiple_of3A, %dma_start3A_60] : memref<2x10000x128xf32, #tpu.memory_space<hbm>> -> memref<1x632x128xf32, #tpu.memory_space<hbm>>
        %dma_start3A_62 = tpu.memref_squeeze %dma_start3A_61 : memref<1x632x128xf32, #tpu.memory_space<hbm>> -> memref<632x128xf32, #tpu.memory_space<hbm>>
        %dma_start3A_63 = arith.constant 0 : i32
        %dma_start3A_64 = tpu.memref_slice %arg12[%multiple_of3A, %dma_start3A_63] : memref<10000x128xf32, #tpu.memory_space<vmem_shared>> -> memref<632x128xf32, #tpu.memory_space<vmem_shared>>
        tpu.enqueue_dma source(%dma_start3A_64 : memref<632x128xf32, #tpu.memory_space<vmem_shared>>) target(%dma_start3A_62 : memref<632x128xf32, #tpu.memory_space<hbm>>) target_semaphore(%run_scoped3A : memref<!tpu.dma_semaphore, #tpu.memory_space<semaphore_mem>>)
        %dma_wait3A_65 = arith.constant 0 : i32
        %dma_wait3A_66 = tpu.memref_slice %arg7[%arg0, %multiple_of3A, %dma_wait3A_65] : memref<2x10000x128xf32, #tpu.memory_space<hbm>> -> memref<1x632x128xf32, #tpu.memory_space<hbm>>
        %dma_wait3A_67 = tpu.memref_squeeze %dma_wait3A_66 : memref<1x632x128xf32, #tpu.memory_space<hbm>> -> memref<632x128xf32, #tpu.memory_space<hbm>>
        %dma_wait3A_68 = arith.constant 0 : i32
        %dma_wait3A_69 = tpu.memref_slice %arg12[%multiple_of3A, %dma_wait3A_68] : memref<10000x128xf32, #tpu.memory_space<vmem_shared>> -> memref<632x128xf32, #tpu.memory_space<vmem_shared>>
        tpu.wait_dma2 semaphore(%run_scoped3A : memref<!tpu.dma_semaphore, #tpu.memory_space<semaphore_mem>>) src(%dma_wait3A_69 : memref<632x128xf32, #tpu.memory_space<vmem_shared>>) dst(%dma_wait3A_67 : memref<632x128xf32, #tpu.memory_space<hbm>>)
        tpu.yield
      }) : () -> ()
    } else {
    }
    %eq3A_55 = arith.constant 15 : i32
    %eq3A_56 = arith.cmpi eq, %arg1, %eq3A_55 : i32
    %convert_element_type3A_57 = arith.extui %eq3A_56 : i1 to i32
    %cond3A_58 = arith.constant 0 : i32
    %cond3A_59 = arith.cmpi ne, %convert_element_type3A_57, %cond3A_58 : i32
    scf.if %cond3A_59 {
      "tpu.region"() ({
        %run_scoped3A = tpu.sem_alloc : memref<!tpu.dma_semaphore, #tpu.memory_space<semaphore_mem>>
        %dma_start3A_60 = arith.constant 0 : i32
        %dma_start3A_61 = tpu.memref_slice %arg7[%arg0, %multiple_of3A, %dma_start3A_60] : memref<2x10000x128xf32, #tpu.memory_space<hbm>> -> memref<1x520x128xf32, #tpu.memory_space<hbm>>
        %dma_start3A_62 = tpu.memref_squeeze %dma_start3A_61 : memref<1x520x128xf32, #tpu.memory_space<hbm>> -> memref<520x128xf32, #tpu.memory_space<hbm>>
        %dma_start3A_63 = arith.constant 0 : i32
        %dma_start3A_64 = tpu.memref_slice %arg12[%multiple_of3A, %dma_start3A_63] : memref<10000x128xf32, #tpu.memory_space<vmem_shared>> -> memref<520x128xf32, #tpu.memory_space<vmem_shared>>
        tpu.enqueue_dma source(%dma_start3A_64 : memref<520x128xf32, #tpu.memory_space<vmem_shared>>) target(%dma_start3A_62 : memref<520x128xf32, #tpu.memory_space<hbm>>) target_semaphore(%run_scoped3A : memref<!tpu.dma_semaphore, #tpu.memory_space<semaphore_mem>>)
        %dma_wait3A_65 = arith.constant 0 : i32
        %dma_wait3A_66 = tpu.memref_slice %arg7[%arg0, %multiple_of3A, %dma_wait3A_65] : memref<2x10000x128xf32, #tpu.memory_space<hbm>> -> memref<1x520x128xf32, #tpu.memory_space<hbm>>
        %dma_wait3A_67 = tpu.memref_squeeze %dma_wait3A_66 : memref<1x520x128xf32, #tpu.memory_space<hbm>> -> memref<520x128xf32, #tpu.memory_space<hbm>>
        %dma_wait3A_68 = arith.constant 0 : i32
        %dma_wait3A_69 = tpu.memref_slice %arg12[%multiple_of3A, %dma_wait3A_68] : memref<10000x128xf32, #tpu.memory_space<vmem_shared>> -> memref<520x128xf32, #tpu.memory_space<vmem_shared>>
        tpu.wait_dma2 semaphore(%run_scoped3A : memref<!tpu.dma_semaphore, #tpu.memory_space<semaphore_mem>>) src(%dma_wait3A_69 : memref<520x128xf32, #tpu.memory_space<vmem_shared>>) dst(%dma_wait3A_67 : memref<520x128xf32, #tpu.memory_space<hbm>>)
        tpu.yield
      }) : () -> ()
    } else {
    }
    return
  }
}

module attributes {stable_mosaic.version = 14 : i64} {
  func.func @body(%arg0: i32, %arg1: memref<1x1000x128xf32, #tpu.memory_space<vmem>>, %arg2: memref<1x1000x128xf32, #tpu.memory_space<vmem>>, %arg3: memref<128x128xf32, #tpu.memory_space<vmem>>, %arg4: memref<1x128xf32, #tpu.memory_space<vmem>>, %arg5: memref<1000x128xf32, #tpu.memory_space<vmem>>) attributes {dimension_semantics = [#tpu.dimension_semantics<arbitrary>], iteration_bounds = array<i64: 10>, scalar_prefetch = 0 : i64, scratch_operands = 0 : i64, tpu.core_type = #tpu.core_type<tc>, window_params = [{transform_indices = @transform_0, window_bounds = array<i64: 1, 1000, 128>}, {transform_indices = @transform_1, window_bounds = array<i64: 1, 1000, 128>}, {pipeline_mode = #tpu.pipeline_mode<synchronous>, transform_indices = @transform_2, window_bounds = array<i64: 128, 128>}, {pipeline_mode = #tpu.pipeline_mode<synchronous>, transform_indices = @transform_3, window_bounds = array<i64: 1, 128>}, {transform_indices = @transform_4, window_bounds = array<i64: 1000, 128>}]} {
    %get3A = arith.constant 0 : index
    %get3A_0 = arith.constant 0 : index
    %get3A_1 = arith.constant 0 : index
    %get3A_2 = vector.load %arg1[%get3A, %get3A_0, %get3A_1] : memref<1x1000x128xf32, #tpu.memory_space<vmem>>, vector<1x1000x128xf32>
    %get3A_3 = vector.shape_cast %get3A_2 : vector<1x1000x128xf32> to vector<1000x128xf32>
    %get3A_4 = arith.constant 0 : index
    %get3A_5 = arith.constant 0 : index
    %get3A_6 = arith.constant 0 : index
    %get3A_7 = vector.load %arg2[%get3A_4, %get3A_5, %get3A_6] : memref<1x1000x128xf32, #tpu.memory_space<vmem>>, vector<1x1000x128xf32>
    %get3A_8 = vector.shape_cast %get3A_7 : vector<1x1000x128xf32> to vector<1000x128xf32>
    %add3A = arith.addf %get3A_3, %get3A_8 : vector<1000x128xf32>
    %get3A_9 = arith.constant 0 : index
    %get3A_10 = arith.constant 0 : index
    %get3A_11 = vector.load %arg3[%get3A_9, %get3A_10] : memref<128x128xf32, #tpu.memory_space<vmem>>, vector<128x128xf32>
    %dot_general3A = arith.constant dense<0.000000e+00> : vector<1000x128xf32>
    %dot_general3A_12 = tpu.matmul %add3A, %get3A_11, %dot_general3A {dimension_numbers = #tpu.dot_dimension_numbers<[1], [0], [0], [1], [0, 0, 1, 1], [], []>, transpose_lhs_hint = false} : vector<1000x128xf32>, vector<128x128xf32>, vector<1000x128xf32> -> vector<1000x128xf32>
    %get3A_13 = arith.constant 0 : index
    %get3A_14 = arith.constant 0 : index
    %get3A_15 = vector.load %arg4[%get3A_13, %get3A_14] : memref<1x128xf32, #tpu.memory_space<vmem>>, vector<1x128xf32>
    %add3A_16 = vector.broadcast %get3A_15 : vector<1x128xf32> to vector<1000x128xf32>
    %add3A_17 = arith.addf %dot_general3A_12, %add3A_16 : vector<1000x128xf32>
    %max3A = arith.constant 0.000000e+00 : f32
    %max3A_18 = vector.broadcast %max3A : f32 to vector<1000x128xf32>
    %max3A_19 = arith.maximumf %add3A_17, %max3A_18 : vector<1000x128xf32>
    %swap3A = arith.constant 0 : index
    %swap3A_20 = arith.constant 0 : index
    %swap3A_21 = vector.load %arg5[%swap3A, %swap3A_20] : memref<1000x128xf32, #tpu.memory_space<vmem>>, vector<1000x128xf32>
    tpu.vector_store %arg5[%swap3A, %swap3A_20], %max3A_19 {strides = array<i32>} : memref<1000x128xf32, #tpu.memory_space<vmem>>, vector<1000x128xf32>,
    return
  }
  func.func @transform_0(%arg0: i32) -> (i32, i32, i32) {
    %c0_i32 = arith.constant 0 : i32
    %c0_i32_0 = arith.constant 0 : i32
    %c0_i32_1 = arith.constant 0 : i32
    return %c0_i32, %arg0, %c0_i32_0 : i32, i32, i32
  }
  func.func @transform_1(%arg0: i32) -> (i32, i32, i32) {
    %c1_i32 = arith.constant 1 : i32
    %c0_i32 = arith.constant 0 : i32
    %c0_i32_0 = arith.constant 0 : i32
    return %c1_i32, %arg0, %c0_i32 : i32, i32, i32
  }
  func.func @transform_2(%arg0: i32) -> (i32, i32) {
    %c0_i32 = arith.constant 0 : i32
    %c0_i32_0 = arith.constant 0 : i32
    %c0_i32_1 = arith.constant 0 : i32
    return %c0_i32, %c0_i32_0 : i32, i32
  }
  func.func @transform_3(%arg0: i32) -> (i32, i32) {
    %c0_i32 = arith.constant 0 : i32
    %c0_i32_0 = arith.constant 0 : i32
    %c0_i32_1 = arith.constant 0 : i32
    return %c0_i32, %c0_i32_0 : i32, i32
  }
  func.func @transform_4(%arg0: i32) -> (i32, i32) {
    %c0_i32 = arith.constant 0 : i32
    %c0_i32_0 = arith.constant 0 : i32
    return %arg0, %c0_i32 : i32, i32
  }
}

module attributes {stable_mosaic.version = 14 : i64} {
  func.func @body(%arg0: i32, %arg1: memref<1x1000x128xf32, #tpu.memory_space<vmem>>, %arg2: memref<1x1000x128xf32, #tpu.memory_space<vmem>>, %arg3: memref<160x128xf32, #tpu.memory_space<vmem>>, %arg4: memref<128x128xf32, #tpu.memory_space<vmem>>, %arg5: memref<1x128xf32, #tpu.memory_space<vmem>>, %arg6: memref<128x128xf32, #tpu.memory_space<vmem>>, %arg7: memref<1000x128xf32, #tpu.memory_space<vmem>>) attributes {dimension_semantics = [#tpu.dimension_semantics<arbitrary>], iteration_bounds = array<i64: 10>, scalar_prefetch = 0 : i64, scratch_operands = 0 : i64, tpu.core_type = #tpu.core_type<tc>, window_params = [{transform_indices = @transform_0, window_bounds = array<i64: 1, 1000, 128>}, {transform_indices = @transform_1, window_bounds = array<i64: 1, 1000, 128>}, {pipeline_mode = #tpu.pipeline_mode<synchronous>, transform_indices = @transform_2, window_bounds = array<i64: 160, 128>}, {pipeline_mode = #tpu.pipeline_mode<synchronous>, transform_indices = @transform_3, window_bounds = array<i64: 128, 128>}, {pipeline_mode = #tpu.pipeline_mode<synchronous>, transform_indices = @transform_4, window_bounds = array<i64: 1, 128>}, {pipeline_mode = #tpu.pipeline_mode<synchronous>, transform_indices = @transform_5, window_bounds = array<i64: 128, 128>}, {transform_indices = @transform_6, window_bounds = array<i64: 1000, 128>}]} {
    %get3A = arith.constant 0 : index
    %get3A_0 = arith.constant 0 : index
    %get3A_1 = vector.load %arg3[%get3A, %get3A_0] : memref<160x128xf32, #tpu.memory_space<vmem>>, vector<160x128xf32>
    %reduce_sum3A = arith.constant dense<0.000000e+00> : vector<128xf32>
    %reduce_sum3A_2 = vector.multi_reduction <add>, %get3A_1, %reduce_sum3A [0] : vector<160x128xf32> to vector<128xf32>
    %broadcast_in_dim3A = vector.shape_cast %reduce_sum3A_2 : vector<128xf32> to vector<1x128xf32>
    %mul3A = arith.constant 6.250000e-03 : f32
    %mul3A_3 = vector.broadcast %mul3A : f32 to vector<1x128xf32>
    %mul3A_4 = arith.mulf %broadcast_in_dim3A, %mul3A_3 : vector<1x128xf32>
    %get3A_5 = arith.constant 0 : index
    %get3A_6 = arith.constant 0 : index
    %get3A_7 = vector.load %arg6[%get3A_5, %get3A_6] : memref<128x128xf32, #tpu.memory_space<vmem>>, vector<128x128xf32>
    %dot_general3A = arith.constant dense<0.000000e+00> : vector<1x128xf32>
    %dot_general3A_8 = tpu.matmul %mul3A_4, %get3A_7, %dot_general3A {dimension_numbers = #tpu.dot_dimension_numbers<[1], [0], [0], [1], [0, 0, 1, 1], [], []>, transpose_lhs_hint = false} : vector<1x128xf32>, vector<128x128xf32>, vector<1x128xf32> -> vector<1x128xf32>
    %get3A_9 = arith.constant 0 : index
    %get3A_10 = arith.constant 0 : index
    %get3A_11 = arith.constant 0 : index
    %get3A_12 = vector.load %arg1[%get3A_9, %get3A_10, %get3A_11] : memref<1x1000x128xf32, #tpu.memory_space<vmem>>, vector<1x1000x128xf32>
    %get3A_13 = vector.shape_cast %get3A_12 : vector<1x1000x128xf32> to vector<1000x128xf32>
    %get3A_14 = arith.constant 0 : index
    %get3A_15 = arith.constant 0 : index
    %get3A_16 = arith.constant 0 : index
    %get3A_17 = vector.load %arg2[%get3A_14, %get3A_15, %get3A_16] : memref<1x1000x128xf32, #tpu.memory_space<vmem>>, vector<1x1000x128xf32>
    %get3A_18 = vector.shape_cast %get3A_17 : vector<1x1000x128xf32> to vector<1000x128xf32>
    %add3A = arith.addf %get3A_13, %get3A_18 : vector<1000x128xf32>
    %get3A_19 = arith.constant 0 : index
    %get3A_20 = arith.constant 0 : index
    %get3A_21 = vector.load %arg4[%get3A_19, %get3A_20] : memref<128x128xf32, #tpu.memory_space<vmem>>, vector<128x128xf32>
    %dot_general3A_22 = arith.constant dense<0.000000e+00> : vector<1000x128xf32>
    %dot_general3A_23 = tpu.matmul %add3A, %get3A_21, %dot_general3A_22 {dimension_numbers = #tpu.dot_dimension_numbers<[1], [0], [0], [1], [0, 0, 1, 1], [], []>, transpose_lhs_hint = false} : vector<1000x128xf32>, vector<128x128xf32>, vector<1000x128xf32> -> vector<1000x128xf32>
    %add3A_24 = vector.broadcast %dot_general3A_8 : vector<1x128xf32> to vector<1000x128xf32>
    %add3A_25 = arith.addf %dot_general3A_23, %add3A_24 : vector<1000x128xf32>
    %get3A_26 = arith.constant 0 : index
    %get3A_27 = arith.constant 0 : index
    %get3A_28 = vector.load %arg5[%get3A_26, %get3A_27] : memref<1x128xf32, #tpu.memory_space<vmem>>, vector<1x128xf32>
    %add3A_29 = vector.broadcast %get3A_28 : vector<1x128xf32> to vector<1000x128xf32>
    %add3A_30 = arith.addf %add3A_25, %add3A_29 : vector<1000x128xf32>
    %max3A = arith.constant 0.000000e+00 : f32
    %max3A_31 = vector.broadcast %max3A : f32 to vector<1000x128xf32>
    %max3A_32 = arith.maximumf %add3A_30, %max3A_31 : vector<1000x128xf32>
    %swap3A = arith.constant 0 : index
    %swap3A_33 = arith.constant 0 : index
    %swap3A_34 = vector.load %arg7[%swap3A, %swap3A_33] : memref<1000x128xf32, #tpu.memory_space<vmem>>, vector<1000x128xf32>
    tpu.vector_store %arg7[%swap3A, %swap3A_33], %max3A_32 {strides = array<i32>} : memref<1000x128xf32, #tpu.memory_space<vmem>>, vector<1000x128xf32>,
    return
  }
  func.func @transform_0(%arg0: i32) -> (i32, i32, i32) {
    %c0_i32 = arith.constant 0 : i32
    %c0_i32_0 = arith.constant 0 : i32
    %c0_i32_1 = arith.constant 0 : i32
    return %c0_i32, %arg0, %c0_i32_0 : i32, i32, i32
  }
  func.func @transform_1(%arg0: i32) -> (i32, i32, i32) {
    %c1_i32 = arith.constant 1 : i32
    %c0_i32 = arith.constant 0 : i32
    %c0_i32_0 = arith.constant 0 : i32
    return %c1_i32, %arg0, %c0_i32 : i32, i32, i32
  }
  func.func @transform_2(%arg0: i32) -> (i32, i32) {
    %c0_i32 = arith.constant 0 : i32
    %c0_i32_0 = arith.constant 0 : i32
    %c0_i32_1 = arith.constant 0 : i32
    return %c0_i32, %c0_i32_0 : i32, i32
  }
  func.func @transform_3(%arg0: i32) -> (i32, i32) {
    %c0_i32 = arith.constant 0 : i32
    %c0_i32_0 = arith.constant 0 : i32
    %c0_i32_1 = arith.constant 0 : i32
    return %c0_i32, %c0_i32_0 : i32, i32
  }
  func.func @transform_4(%arg0: i32) -> (i32, i32) {
    %c0_i32 = arith.constant 0 : i32
    %c0_i32_0 = arith.constant 0 : i32
    %c0_i32_1 = arith.constant 0 : i32
    return %c0_i32, %c0_i32_0 : i32, i32
  }
  func.func @transform_5(%arg0: i32) -> (i32, i32) {
    %c0_i32 = arith.constant 0 : i32
    %c0_i32_0 = arith.constant 0 : i32
    %c0_i32_1 = arith.constant 0 : i32
    return %c0_i32, %c0_i32_0 : i32, i32
  }
  func.func @transform_6(%arg0: i32) -> (i32, i32) {
    %c0_i32 = arith.constant 0 : i32
    %c0_i32_0 = arith.constant 0 : i32
    return %arg0, %c0_i32 : i32, i32
  }
}

module attributes {stable_mosaic.version = 14 : i64} {
  func.func @body(%arg0: i32, %arg1: memref<1x1000x128xf32, #tpu.memory_space<vmem>>, %arg2: memref<1x1000x128xf32, #tpu.memory_space<vmem>>, %arg3: memref<128x128xf32, #tpu.memory_space<vmem>>, %arg4: memref<1x128xf32, #tpu.memory_space<vmem>>, %arg5: memref<1000x128xf32, #tpu.memory_space<vmem>>) attributes {dimension_semantics = [#tpu.dimension_semantics<arbitrary>], iteration_bounds = array<i64: 10>, scalar_prefetch = 0 : i64, scratch_operands = 0 : i64, tpu.core_type = #tpu.core_type<tc>, window_params = [{transform_indices = @transform_0, window_bounds = array<i64: 1, 1000, 128>}, {transform_indices = @transform_1, window_bounds = array<i64: 1, 1000, 128>}, {pipeline_mode = #tpu.pipeline_mode<synchronous>, transform_indices = @transform_2, window_bounds = array<i64: 128, 128>}, {pipeline_mode = #tpu.pipeline_mode<synchronous>, transform_indices = @transform_3, window_bounds = array<i64: 1, 128>}, {transform_indices = @transform_4, window_bounds = array<i64: 1000, 128>}]} {
    %get3A = arith.constant 0 : index
    %get3A_0 = arith.constant 0 : index
    %get3A_1 = arith.constant 0 : index
    %get3A_2 = vector.load %arg1[%get3A, %get3A_0, %get3A_1] : memref<1x1000x128xf32, #tpu.memory_space<vmem>>, vector<1x1000x128xf32>
    %get3A_3 = vector.shape_cast %get3A_2 : vector<1x1000x128xf32> to vector<1000x128xf32>
    %get3A_4 = arith.constant 0 : index
    %get3A_5 = arith.constant 0 : index
    %get3A_6 = arith.constant 0 : index
    %get3A_7 = vector.load %arg2[%get3A_4, %get3A_5, %get3A_6] : memref<1x1000x128xf32, #tpu.memory_space<vmem>>, vector<1x1000x128xf32>
    %get3A_8 = vector.shape_cast %get3A_7 : vector<1x1000x128xf32> to vector<1000x128xf32>
    %add3A = arith.addf %get3A_3, %get3A_8 : vector<1000x128xf32>
    %get3A_9 = arith.constant 0 : index
    %get3A_10 = arith.constant 0 : index
    %get3A_11 = vector.load %arg3[%get3A_9, %get3A_10] : memref<128x128xf32, #tpu.memory_space<vmem>>, vector<128x128xf32>
    %dot_general3A = arith.constant dense<0.000000e+00> : vector<1000x128xf32>
    %dot_general3A_12 = tpu.matmul %add3A, %get3A_11, %dot_general3A {dimension_numbers = #tpu.dot_dimension_numbers<[1], [0], [0], [1], [0, 0, 1, 1], [], []>, transpose_lhs_hint = false} : vector<1000x128xf32>, vector<128x128xf32>, vector<1000x128xf32> -> vector<1000x128xf32>
    %get3A_13 = arith.constant 0 : index
    %get3A_14 = arith.constant 0 : index
    %get3A_15 = vector.load %arg4[%get3A_13, %get3A_14] : memref<1x128xf32, #tpu.memory_space<vmem>>, vector<1x128xf32>
    %add3A_16 = vector.broadcast %get3A_15 : vector<1x128xf32> to vector<1000x128xf32>
    %add3A_17 = arith.addf %dot_general3A_12, %add3A_16 : vector<1000x128xf32>
    %max3A = arith.constant 0.000000e+00 : f32
    %max3A_18 = vector.broadcast %max3A : f32 to vector<1000x128xf32>
    %max3A_19 = arith.maximumf %add3A_17, %max3A_18 : vector<1000x128xf32>
    %swap3A = arith.constant 0 : index
    %swap3A_20 = arith.constant 0 : index
    %swap3A_21 = vector.load %arg5[%swap3A, %swap3A_20] : memref<1000x128xf32, #tpu.memory_space<vmem>>, vector<1000x128xf32>
    tpu.vector_store %arg5[%swap3A, %swap3A_20], %max3A_19 {strides = array<i32>} : memref<1000x128xf32, #tpu.memory_space<vmem>>, vector<1000x128xf32>,
    return
  }
  func.func @transform_0(%arg0: i32) -> (i32, i32, i32) {
    %c0_i32 = arith.constant 0 : i32
    %c0_i32_0 = arith.constant 0 : i32
    %c0_i32_1 = arith.constant 0 : i32
    return %c0_i32, %arg0, %c0_i32_0 : i32, i32, i32
  }
  func.func @transform_1(%arg0: i32) -> (i32, i32, i32) {
    %c1_i32 = arith.constant 1 : i32
    %c0_i32 = arith.constant 0 : i32
    %c0_i32_0 = arith.constant 0 : i32
    return %c1_i32, %arg0, %c0_i32 : i32, i32, i32
  }
  func.func @transform_2(%arg0: i32) -> (i32, i32) {
    %c0_i32 = arith.constant 0 : i32
    %c0_i32_0 = arith.constant 0 : i32
    %c0_i32_1 = arith.constant 0 : i32
    return %c0_i32, %c0_i32_0 : i32, i32
  }
  func.func @transform_3(%arg0: i32) -> (i32, i32) {
    %c0_i32 = arith.constant 0 : i32
    %c0_i32_0 = arith.constant 0 : i32
    %c0_i32_1 = arith.constant 0 : i32
    return %c0_i32, %c0_i32_0 : i32, i32
  }
  func.func @transform_4(%arg0: i32) -> (i32, i32) {
    %c0_i32 = arith.constant 0 : i32
    %c0_i32_0 = arith.constant 0 : i32
    return %arg0, %c0_i32 : i32, i32
  }
}

module attributes {stable_mosaic.version = 14 : i64} {
  func.func @body(%arg0: i32, %arg1: memref<1x1000x128xf32, #tpu.memory_space<vmem>>, %arg2: memref<1x1000x128xf32, #tpu.memory_space<vmem>>, %arg3: memref<160x128xf32, #tpu.memory_space<vmem>>, %arg4: memref<128x128xf32, #tpu.memory_space<vmem>>, %arg5: memref<1x128xf32, #tpu.memory_space<vmem>>, %arg6: memref<128x128xf32, #tpu.memory_space<vmem>>, %arg7: memref<128x16xf32, #tpu.memory_space<vmem>>, %arg8: memref<1x16xf32, #tpu.memory_space<vmem>>, %arg9: memref<1000x128xf32, #tpu.memory_space<vmem>>, %arg10: memref<1000x16xf32, #tpu.memory_space<vmem>>) attributes {dimension_semantics = [#tpu.dimension_semantics<arbitrary>], iteration_bounds = array<i64: 10>, scalar_prefetch = 0 : i64, scratch_operands = 0 : i64, tpu.core_type = #tpu.core_type<tc>, window_params = [{transform_indices = @transform_0, window_bounds = array<i64: 1, 1000, 128>}, {transform_indices = @transform_1, window_bounds = array<i64: 1, 1000, 128>}, {pipeline_mode = #tpu.pipeline_mode<synchronous>, transform_indices = @transform_2, window_bounds = array<i64: 160, 128>}, {pipeline_mode = #tpu.pipeline_mode<synchronous>, transform_indices = @transform_3, window_bounds = array<i64: 128, 128>}, {pipeline_mode = #tpu.pipeline_mode<synchronous>, transform_indices = @transform_4, window_bounds = array<i64: 1, 128>}, {pipeline_mode = #tpu.pipeline_mode<synchronous>, transform_indices = @transform_5, window_bounds = array<i64: 128, 128>}, {pipeline_mode = #tpu.pipeline_mode<synchronous>, transform_indices = @transform_6, window_bounds = array<i64: 128, 16>}, {pipeline_mode = #tpu.pipeline_mode<synchronous>, transform_indices = @transform_7, window_bounds = array<i64: 1, 16>}, {transform_indices = @transform_8, window_bounds = array<i64: 1000, 128>}, {transform_indices = @transform_9, window_bounds = array<i64: 1000, 16>}]} {
    %get3A = arith.constant 0 : index
    %get3A_0 = arith.constant 0 : index
    %get3A_1 = vector.load %arg3[%get3A, %get3A_0] : memref<160x128xf32, #tpu.memory_space<vmem>>, vector<160x128xf32>
    %reduce_sum3A = arith.constant dense<0.000000e+00> : vector<128xf32>
    %reduce_sum3A_2 = vector.multi_reduction <add>, %get3A_1, %reduce_sum3A [0] : vector<160x128xf32> to vector<128xf32>
    %broadcast_in_dim3A = vector.shape_cast %reduce_sum3A_2 : vector<128xf32> to vector<1x128xf32>
    %mul3A = arith.constant 6.250000e-03 : f32
    %mul3A_3 = vector.broadcast %mul3A : f32 to vector<1x128xf32>
    %mul3A_4 = arith.mulf %broadcast_in_dim3A, %mul3A_3 : vector<1x128xf32>
    %get3A_5 = arith.constant 0 : index
    %get3A_6 = arith.constant 0 : index
    %get3A_7 = vector.load %arg6[%get3A_5, %get3A_6] : memref<128x128xf32, #tpu.memory_space<vmem>>, vector<128x128xf32>
    %dot_general3A = arith.constant dense<0.000000e+00> : vector<1x128xf32>
    %dot_general3A_8 = tpu.matmul %mul3A_4, %get3A_7, %dot_general3A {dimension_numbers = #tpu.dot_dimension_numbers<[1], [0], [0], [1], [0, 0, 1, 1], [], []>, transpose_lhs_hint = false} : vector<1x128xf32>, vector<128x128xf32>, vector<1x128xf32> -> vector<1x128xf32>
    %get3A_9 = arith.constant 0 : index
    %get3A_10 = arith.constant 0 : index
    %get3A_11 = arith.constant 0 : index
    %get3A_12 = vector.load %arg1[%get3A_9, %get3A_10, %get3A_11] : memref<1x1000x128xf32, #tpu.memory_space<vmem>>, vector<1x1000x128xf32>
    %get3A_13 = vector.shape_cast %get3A_12 : vector<1x1000x128xf32> to vector<1000x128xf32>
    %get3A_14 = arith.constant 0 : index
    %get3A_15 = arith.constant 0 : index
    %get3A_16 = arith.constant 0 : index
    %get3A_17 = vector.load %arg2[%get3A_14, %get3A_15, %get3A_16] : memref<1x1000x128xf32, #tpu.memory_space<vmem>>, vector<1x1000x128xf32>
    %get3A_18 = vector.shape_cast %get3A_17 : vector<1x1000x128xf32> to vector<1000x128xf32>
    %add3A = arith.addf %get3A_13, %get3A_18 : vector<1000x128xf32>
    %get3A_19 = arith.constant 0 : index
    %get3A_20 = arith.constant 0 : index
    %get3A_21 = vector.load %arg4[%get3A_19, %get3A_20] : memref<128x128xf32, #tpu.memory_space<vmem>>, vector<128x128xf32>
    %dot_general3A_22 = arith.constant dense<0.000000e+00> : vector<1000x128xf32>
    %dot_general3A_23 = tpu.matmul %add3A, %get3A_21, %dot_general3A_22 {dimension_numbers = #tpu.dot_dimension_numbers<[1], [0], [0], [1], [0, 0, 1, 1], [], []>, transpose_lhs_hint = false} : vector<1000x128xf32>, vector<128x128xf32>, vector<1000x128xf32> -> vector<1000x128xf32>
    %add3A_24 = vector.broadcast %dot_general3A_8 : vector<1x128xf32> to vector<1000x128xf32>
    %add3A_25 = arith.addf %dot_general3A_23, %add3A_24 : vector<1000x128xf32>
    %get3A_26 = arith.constant 0 : index
    %get3A_27 = arith.constant 0 : index
    %get3A_28 = vector.load %arg5[%get3A_26, %get3A_27] : memref<1x128xf32, #tpu.memory_space<vmem>>, vector<1x128xf32>
    %add3A_29 = vector.broadcast %get3A_28 : vector<1x128xf32> to vector<1000x128xf32>
    %add3A_30 = arith.addf %add3A_25, %add3A_29 : vector<1000x128xf32>
    %max3A = arith.constant 0.000000e+00 : f32
    %max3A_31 = vector.broadcast %max3A : f32 to vector<1000x128xf32>
    %max3A_32 = arith.maximumf %add3A_30, %max3A_31 : vector<1000x128xf32>
    %swap3A = arith.constant 0 : index
    %swap3A_33 = arith.constant 0 : index
    %swap3A_34 = vector.load %arg9[%swap3A, %swap3A_33] : memref<1000x128xf32, #tpu.memory_space<vmem>>, vector<1000x128xf32>
    tpu.vector_store %arg9[%swap3A, %swap3A_33], %max3A_32 {strides = array<i32>} : memref<1000x128xf32, #tpu.memory_space<vmem>>, vector<1000x128xf32>,
    %get3A_35 = arith.constant 0 : index
    %get3A_36 = arith.constant 0 : index
    %get3A_37 = vector.load %arg7[%get3A_35, %get3A_36] : memref<128x16xf32, #tpu.memory_space<vmem>>, vector<128x16xf32>
    %dot_general3A_38 = arith.constant dense<0.000000e+00> : vector<1000x16xf32>
    %dot_general3A_39 = tpu.matmul %max3A_32, %get3A_37, %dot_general3A_38 {dimension_numbers = #tpu.dot_dimension_numbers<[1], [0], [0], [1], [0, 0, 1, 1], [], []>, transpose_lhs_hint = false} : vector<1000x128xf32>, vector<128x16xf32>, vector<1000x16xf32> -> vector<1000x16xf32>
    %get3A_40 = arith.constant 0 : index
    %get3A_41 = arith.constant 0 : index
    %get3A_42 = vector.load %arg8[%get3A_40, %get3A_41] : memref<1x16xf32, #tpu.memory_space<vmem>>, vector<1x16xf32>
    %add3A_43 = vector.broadcast %get3A_42 : vector<1x16xf32> to vector<1000x16xf32>
    %add3A_44 = arith.addf %dot_general3A_39, %add3A_43 : vector<1000x16xf32>
    %swap3A_45 = arith.constant 0 : index
    %swap3A_46 = arith.constant 0 : index
    %swap3A_47 = vector.load %arg10[%swap3A_45, %swap3A_46] : memref<1000x16xf32, #tpu.memory_space<vmem>>, vector<1000x16xf32>
    tpu.vector_store %arg10[%swap3A_45, %swap3A_46], %add3A_44 {strides = array<i32>} : memref<1000x16xf32, #tpu.memory_space<vmem>>, vector<1000x16xf32>,
    return
  }
  func.func @transform_0(%arg0: i32) -> (i32, i32, i32) {
    %c0_i32 = arith.constant 0 : i32
    %c0_i32_0 = arith.constant 0 : i32
    %c0_i32_1 = arith.constant 0 : i32
    return %c0_i32, %arg0, %c0_i32_0 : i32, i32, i32
  }
  func.func @transform_1(%arg0: i32) -> (i32, i32, i32) {
    %c1_i32 = arith.constant 1 : i32
    %c0_i32 = arith.constant 0 : i32
    %c0_i32_0 = arith.constant 0 : i32
    return %c1_i32, %arg0, %c0_i32 : i32, i32, i32
  }
  func.func @transform_2(%arg0: i32) -> (i32, i32) {
    %c0_i32 = arith.constant 0 : i32
    %c0_i32_0 = arith.constant 0 : i32
    %c0_i32_1 = arith.constant 0 : i32
    return %c0_i32, %c0_i32_0 : i32, i32
  }
  func.func @transform_3(%arg0: i32) -> (i32, i32) {
    %c0_i32 = arith.constant 0 : i32
    %c0_i32_0 = arith.constant 0 : i32
    %c0_i32_1 = arith.constant 0 : i32
    return %c0_i32, %c0_i32_0 : i32, i32
  }
  func.func @transform_4(%arg0: i32) -> (i32, i32) {
    %c0_i32 = arith.constant 0 : i32
    %c0_i32_0 = arith.constant 0 : i32
    %c0_i32_1 = arith.constant 0 : i32
    return %c0_i32, %c0_i32_0 : i32, i32
  }
  func.func @transform_5(%arg0: i32) -> (i32, i32) {
    %c0_i32 = arith.constant 0 : i32
    %c0_i32_0 = arith.constant 0 : i32
    %c0_i32_1 = arith.constant 0 : i32
    return %c0_i32, %c0_i32_0 : i32, i32
  }
  func.func @transform_6(%arg0: i32) -> (i32, i32) {
    %c0_i32 = arith.constant 0 : i32
    %c0_i32_0 = arith.constant 0 : i32
    %c0_i32_1 = arith.constant 0 : i32
    return %c0_i32, %c0_i32_0 : i32, i32
  }
  func.func @transform_7(%arg0: i32) -> (i32, i32) {
    %c0_i32 = arith.constant 0 : i32
    %c0_i32_0 = arith.constant 0 : i32
    %c0_i32_1 = arith.constant 0 : i32
    return %c0_i32, %c0_i32_0 : i32, i32
  }
  func.func @transform_8(%arg0: i32) -> (i32, i32) {
    %c0_i32 = arith.constant 0 : i32
    %c0_i32_0 = arith.constant 0 : i32
    return %arg0, %c0_i32 : i32, i32
  }
  func.func @transform_9(%arg0: i32) -> (i32, i32) {
    %c0_i32 = arith.constant 0 : i32
    %c0_i32_0 = arith.constant 0 : i32
    return %arg0, %c0_i32 : i32, i32
  }
}

</mosaic_0001>

<sc_bundles>
// kernel: kernel.10.cloned.1.call-start
scs
__scs_entry_jumppad:
0x0: {  	(pc) =	sbr.rel $0x88, $3  }
0x1: {  	(tag) =	ssettag $0x0;
	lr =	simm.s32 $0x1  }
0x2: {  	[smem:$0x3F91] =	sst lr;
	_ =	strace $0xD0000000  }
0x3: {  	_ = 	snop  }
0x4: {  	_ = 	snop  }
0x5: {  	_ = 	snop  }
0x6: {  	_ = 	snop  }
0x7: {  	_ = 	snop  }
__scs_overlays_trampoline_lowered:
0x8: {  	[smem:$0x3FA0] =	sst s0  }
0x9: {  	[smem:$0x3FA1] =	sst s1  }
0xa: {  	[smem:$0x3FA2] =	sst s2  }
0xb: {  	[smem:$0x3FA3] =	sst s3  }
0xc: {  	[smem:$0x3FA4] =	sst s4  }
0xd: {  	[smem:$0x3FA5] =	sst s5  }
0xe: {  	[smem:$0x3FA6] =	sst s6  }
0xf: {  	[smem:$0x3FA7] =	sst s7  }
0x10: {  	[smem:$0x3FA8] =	sst s8  }
0x11: {  	[smem:$0x3FA9] =	sst s9;
	s0 =	simm.s32 @!p0 $0x0  }
0x12: {  	s1 =	sld [smem:$0x3F8F];
	s0 =	simm.s32 @p0 $0x1  }
0x13: {  	[smem:$0x3FAA] =	sst s0;
	s0 =	simm.s32 @!p1 $0x0  }
0x14: {  	s2 =	sld [smem:$0x3F8E];
	s0 =	simm.s32 @p1 $0x1  }
0x15: {  	[smem:$0x3FAB] =	sst s0;
	s0 =	simm.s32 @!p2 $0x0  }
0x16: {  	s3 =	sld [smem:$0x3FDB];
	s0 =	simm.s32 @p2 $0x1  }
0x17: {  	s4 =	simm.s32 $0x1BF5;
	[smem:$0x3FAD] =	sst s0  }
0x18: {  	s0 =	sld [smem:$0x3F90];
	_ =	swait.ge [sflag:s4], $0x0  }
0x19: {  	s7 =	sld [smem:$0x3F91]  }
0x1a: {  	s8 =	sadd.s32 $0xFFFFE003, lr  }
0x1b: {  	s9 =	sadd.s32 $0xFFFFFEF7, lr;
	s5 =	simm.s32 $0xFFFFFFFF;
	p2 =	slt.u32 s8, $0xFFFFF086  }
0x1c: {  	p1 =	slt.u32 s9, $0xF7A;
	s5 =	simm.s32 @!p2 $0x0  }
0x1d: {  	s5 =	simm.s32 @p1 $0x1;
	p0 =	seq.s32 s7, s2  }
0x1e: {  	s7 =	smul.u32 @!p0 $0xF7A, s2;
	p2 =	seq.s32 @!p0 s5, $0x0  }
0x1f: {  	s9 =	smul.u32 $0xF7A, s1;
	s8 =	simm.s32 @!p0 $0x1BF5;
	p2 =	por !p2, p0  }
0x20: {  	[sflag:s8] =	ssyncset.s32 @!p0 $0xFFFFF086;
	s6 =	sadd.s32 @!p0 s3, s7;
	s7 =	simm.s32 @!p0 $0x108  }
0x21: {  	s3 =	sadd.s32 s3, s9;
	s6 =	sadd.s32 @!p0 $0x88, s6;
	s7 =	simm.s32 @p2 $0x1082  }
0x22: {  	[simem:s7], [sflag:s8] =	dma.local @!p0 [hbm:s6], $0xF7A  }
0x23: {  	s9 =	sor.u32 $0xD0000000, s2;
	s6 =	simm.s32 $0x108;
	_ =	swait.ge @!p0 [sflag:s8], $0x0  }
0x24: {  	s3 =	sadd.s32 $0x88, s3;
	s6 =	simm.s32 @!p1 $0x1082;
	[sflag:s4] =	ssyncset.s32 $0xFFFFF086  }
0x25: {  	[simem:s6], [sflag:s4] =	dma.local [hbm:s3], $0xF7A  }
0x26: {  	[smem:$0x3F91] =	sst s1;
	(tag) =	ssettag s2;
	_ =	strace s9  }
0x27: {  	s1 =	sld [smem:$0x3FA1]  }
0x28: {  	s2 =	sld [smem:$0x3FA2]  }
0x29: {  	s4 =	sld [smem:$0x3FA4]  }
0x2a: {  	p0 =	seq.s32 s5, $0x0;
	s5 =	sld [smem:$0x3FA5]  }
0x2b: {  	s6 =	sld [smem:$0x3FA6]  }
0x2c: {  	s7 =	sld [smem:$0x3FA7]  }
0x2d: {  	s3 =	simm.s32 $0x108;
	s8 =	sld [smem:$0x3FA8]  }
0x2e: {  	s3 =	simm.s32 @!p0 $0x1082;
	s9 =	sld [smem:$0x3FA9]  }
0x2f: {  	lr =	sadd.s32 s0, s3;
	s0 =	sld [smem:$0x3FA0]  }
0x30: {  	s3 =	sld [smem:$0x3FA3]  }
0x31: {  	[smem:$0x3FAC] =	sst s10  }
0x32: {  	s10 =	sld [smem:$0x3FAA];
	_ =	sdelay $0x3  }
0x33: {  	p0 =	seq.s32 s10, $0x1;
	s10 =	sld [smem:$0x3FAC];
	_ =	sdelay $0x3  }
0x34: {  	[smem:$0x3FAC] =	sst s10  }
0x35: {  	s10 =	sld [smem:$0x3FAB];
	_ =	sdelay $0x3  }
0x36: {  	p1 =	seq.s32 s10, $0x1;
	s10 =	sld [smem:$0x3FAC];
	_ =	sdelay $0x3  }
0x37: {  	[smem:$0x3FAC] =	sst s10  }
0x38: {  	s10 =	sld [smem:$0x3FAD]  }
0x39: {  	_ = 	snop;
	(pc) =	sbr.ind lr, $3  }
0x3a: {  	_ = 	snop  }
0x3b: {  	_ = 	snop  }
0x3c: {  	p2 =	seq.s32 s10, $0x1;
	s10 =	sld [smem:$0x3FAC]  }
0x3d: {  	_ =	shalt  }
0x3e: {  	_ =	shalt  }
0x3f: {  	_ =	shalt  }
0x40: {  	_ =	shalt  }
0x41: {  	_ =	shalt  }
0x42: {  	_ =	shalt  }
0x43: {  	_ =	shalt  }
0x44: {  	_ =	shalt  }
0x45: {  	_ =	shalt  }
0x46: {  	_ =	shalt  }
0x47: {  	_ =	shalt  }
0x48: {  	_ =	shalt  }
0x49: {  	_ =	shalt  }
0x4a: {  	_ =	shalt  }
0x4b: {  	_ =	shalt  }
0x4c: {  	_ =	shalt  }
0x4d: {  	_ =	shalt  }
0x4e: {  	_ =	shalt  }
0x4f: {  	_ =	shalt  }
0x50: {  	_ =	shalt  }
0x51: {  	_ =	shalt  }
0x52: {  	_ =	shalt  }
0x53: {  	_ =	shalt  }
0x54: {  	_ =	shalt  }
0x55: {  	_ =	shalt  }
0x56: {  	_ =	shalt  }
0x57: {  	_ =	shalt  }
0x58: {  	_ =	shalt  }
0x59: {  	_ =	shalt  }
0x5a: {  	_ =	shalt  }
0x5b: {  	_ =	shalt  }
0x5c: {  	_ =	shalt  }
0x5d: {  	_ =	shalt  }
0x5e: {  	_ =	shalt  }
0x5f: {  	_ =	shalt  }
0x60: {  	_ =	shalt  }
0x61: {  	_ =	shalt  }
0x62: {  	_ =	shalt  }
0x63: {  	_ =	shalt  }
0x64: {  	_ =	shalt  }
0x65: {  	_ =	shalt  }
0x66: {  	_ =	shalt  }
0x67: {  	_ =	shalt  }
0x68: {  	_ =	shalt  }
0x69: {  	_ =	shalt  }
0x6a: {  	_ =	shalt  }
0x6b: {  	_ =	shalt  }
0x6c: {  	_ =	shalt  }
0x6d: {  	_ =	shalt  }
0x6e: {  	_ =	shalt  }
0x6f: {  	_ =	shalt  }
0x70: {  	_ =	shalt  }
0x71: {  	_ =	shalt  }
0x72: {  	_ =	shalt  }
0x73: {  	_ =	shalt  }
0x74: {  	_ =	shalt  }
0x75: {  	_ =	shalt  }
0x76: {  	_ =	shalt  }
0x77: {  	_ =	shalt  }
0x78: {  	_ =	shalt  }
0x79: {  	_ =	shalt  }
0x7a: {  	_ =	shalt  }
0x7b: {  	_ =	shalt  }
0x7c: {  	_ =	shalt  }
0x7d: {  	_ =	shalt  }
0x7e: {  	_ =	shalt  }
0x7f: {  	_ =	shalt  }
0x80: {  	_ =	shalt  }
0x81: {  	_ =	shalt  }
0x82: {  	_ =	shalt  }
0x83: {  	_ =	shalt  }
0x84: {  	_ =	shalt  }
0x85: {  	_ =	shalt  }
0x86: {  	_ =	shalt  }
0x87: {  	_ =	shalt  }
.Lfunc_end0:
.L_simem_size_0:
called_computation_lowered:
.L_overlay_start_0:
0x88: {  	s2 =	sld [smem:$0x3FD9]  }
0x89: {  	s3 =	sld [smem:$0x3FFE];
	_ =	sdelay $0x1  }
0x8a: {  	s1 =	srdreg.scid  }
0x8b: {  	s0 =	sand.u32 $0x1, s1  }
0x8c: {  	s14 =	sshll.u32 s0, $0xA;
	s2 =	sadd.s32 s3, s2  }
0x8d: {  	s2 =	sadd.s32 s2, s14  }
0x8e: {  	[smem:$0x3FB8] =	sst s2  }
0x8f: {  	_ = 	snop  }
0x90: {  	s2 =	sld [smem:$0x3FD0];
	_ =	sdelay $0x1  }
0x91: {  	s15 =	sld [smem:$0x3FC9]  }
0x92: {  	s5 =	simm.s32 $0xA;
	s6 =	simm.s32 $0x10;
	s4 =	sld [smem:$0x3FC8]  }
0x93: {  	[smem:s6], [sflag:s5] =	dma.local [hbm:s2], $0x1  }
0x94: {  	_ =	swait.eq [sflag:s5], $0x1  }
0x95: {  	[sflag:s5] =	ssyncset.done $0x0  }
0x96: {  	s16 =	sld [smem:$0x10];
	[sflag:s5] =	ssyncadd.s32 $0xFFFFFFFF  }
0x97: {  	s17 =	sld [smem:$0x11];
	(tm) =	ssettm $0x1  }
0x98: {  	s18 =	sld [smem:$0x3FFB];
	_ =	sdelay $0x3  }
0x99: {  	_ =	strace s18  }
0x9a: {  	s6 =	sld [smem:$0x3FFC];
	_ =	sdelay $0x3  }
0x9b: {  	_ =	strace s6  }
0x9c: {  	s6 =	sld [smem:$0x3FFD];
	_ =	sdelay $0x3  }
0x9d: {  	_ =	strace s6  }
0x9e: {  	_ =	strace $0x8FFFFFFF  }
0x9f: {  	s19 =	sld [smem:$0x3FDB];
	_ =	sdelay $0x1  }
0xa0: {  	s7 =	simm.s32 $_scs_section_size  }
0xa1: {  	s8 =	simm.s32 $_size__tile_overlayer_lowered;
	s9 =	simm.s32 $_tile_overlayer_lowered  }
0xa2: {  	s22 =	simm.s32 $0x1BFF;
	s21 =	sshll.u32 s9, $0x1;
	s6 =	sadd.s32 s7, s19  }
0xa3: {  	s10 =	simm.s32 $0x0;
	s20 =	sshll.u32 s8, $0x1;
	s8 =	sadd.s32 s21, s6  }
0xa4: {  	[timem:s10], [sflag:s22] =	dma.local [hbm:s8], s20  }
0xa5: {  	_ =	swait.ge [sflag:s22], s20  }
0xa6: {  	s7 =	ssub.s32 $0x0, s20;
	[sflag:s22] =	ssyncset.done $0x0  }
0xa7: {  	[sflag:s22] =	ssyncadd.s32 s7;
	_ =	sdelay $0x1  }
0xa8: {  	s23 =	simm.s32 $0x1B8B  }
0xa9: {  	_ =	swait.ge [sflag:s23], $0x1  }
0xaa: {  	[sflag:s23] =	ssyncset.done $0x0  }
0xab: {  	s25 =	simm.s32 $0x1B8E;
	s24 =	sld [smem:$0x3FFE];
	[sflag:s23] =	ssyncadd.s32 $0xFFFFFFFF  }
0xac: {  	s26 =	simm.s32 $execute0_lowered;
	[smem:$0x3FD2] =	sst s25  }
0xad: {  	s8 =	sshll.u32 s26, $0x1;
	_ =	strace $0x80000046;
	[dreg:$0x1] =	wrdreg $0xFFFFFFFF  }
0xae: {  	s28 =	simm.s32 $_size_execute0_lowered;
	s6 =	sadd.s32 s6, s8;
	[dreg:$0x0] =	wrdreg $0x0  }
0xaf: {  	s8 =	sshll.u32 s28, $0x1;
	[dreg:$0x2] =	wrdreg s6  }
0xb0: {  	[dreg:$0x3] =	wrdreg s8  }
0xb1: {  	[dreg:$0x4] =	wrdreg $0xC0  }
0xb2: {  	_ =	task [dreg:s10], $0x5FFFF  }
0xb3: {  	[dreg:$0x1] =	wrdreg $0xFFFFFFFF  }
0xb4: {  	[dreg:$0x0] =	wrdreg $0x60  }
0xb5: {  	[dreg:$0x2] =	wrdreg s4  }
0xb6: {  	[dreg:$0x3] =	wrdreg s24  }
0xb7: {  	[dreg:$0x4] =	wrdreg s17  }
0xb8: {  	[dreg:$0x5] =	wrdreg s15  }
0xb9: {  	[dreg:$0x6] =	wrdreg s16  }
0xba: {  	[dreg:$0x7] =	wrdreg $0x90000  }
0xbb: {  	[dreg:$0x8] =	wrdreg $0x9  }
0xbc: {  	_ =	task.clear_ibuf [dreg:s10], $0x9FFFF;
	_ =	strace $0x90000046  }
0xbd: {  	s29 =	simm.s32 $0x9;
	_ =	strace $0x80000048  }
0xbe: {  	_ =	swait.ge [sflag:s29], $0x1  }
0xbf: {  	[sflag:s29] =	ssyncadd.s32 $0xFFFFFFFF  }
0xc0: {  	_ =	strace $0x90000048  }
0xc1: {  	_ =	sfence  }
0xc2: {  	s30 =	sld [smem:$0x0];
	_ =	sdelay $0x2  }
0xc3: {  	s31 =	sshll.u32 s1, $0xD;
	s1 =	sshrl.u32 s1, $0x2  }
0xc4: {  	s3 =	sand.u32 $0x4000, s31;
	s1 =	sadd.s32 s1, s30  }
0xc5: {  	s0 =	sor.u32 s3, s0;
	s1 =	sshll.u32 s1, $0x11  }
0xc6: {  	s0 =	sor.u32 s1, s0  }
0xc7: {  	s0 =	sadd.s32 $0x8F2B, s0  }
0xc8: {  	[sflag:s0] =	ssyncadd.remote.s32 $0x1  }
0xc9: {  	_ =	sfence.sel $0xFFFF  }
0xca: {  	[dreg:$0x0] =	wrdreg $0xFFFFFFFF;
	(pc) =	sbr.abs _section_cstart, $3  }
0xcb: {  	[dreg:$0x1] =	wrdreg $0xFFFFFFFF  }
0xcc: {  	_ =	task.clear_ibuf [dreg:s10], $0x2FFFF;
	_ =	strace $0x9FFFFFFF  }
0xcd: {  	(tm) =	ssettm $0x7FFFFFFF  }
tec
execute0_lowered:
.L_overlay_start_1:
0x0: {  	(tag) =	ssettag $0x1  }
0x1: {  	s0 =	rddreg [dreg:$0x0]  }
0x2: {  	s5 =	rddreg [dreg:$0x1]  }
0x3: {  	s10 =	rddreg [dreg:$0x2]  }
0x4: {  	s12 =	rddreg [dreg:$0x3]  }
0x5: {  	s1 =	srdreg.scid;
	s13 =	rddreg [dreg:$0x4]  }
0x6: {  	s3 =	rddreg [dreg:$0x5];
	s2 =	stileid.u32;
	s4 =	simm.s32 $0x0  }
0x7: {  	s20 =	simm.s32 $0x1;
	s21 =	simm.s32 $0x7D;
	s22 =	simm.s32 $0x5000  }
0x8: {  	s23 =	simm.s32 $0x2;
	s25 =	simm.s32 $0x1FC2;
	s11 =	smul.u32 $0x4F000, s2  }
0x9: {  	s6 =	sand.u32 $0x1, s1;
	s1 =	rddreg [dreg:$0x6];
	s28 =	smul.u32 $0x2780, s2  }
0xa: {  	[smem:$0x7FF] =	sst s4;
	s15 =	sadd.s32 $0x17200, s5;
	s19 =	smul.u32 $0x13C00, s2  }
0xb: {  	p0 =	seq.s32 s2, $0xF;
	s7 =	sshll.u32 s6, $0x4;
	_ =	strace $0x80000047  }
0xc: {  	s26 =	ssub.s32 $0x2, s6;
	s17 =	smul.u32 $0x138800, s6;
	s24 =	sor.u32 s2, s7  }
0xd: {  	s9 =	sshrl.u32 s26, $0x1;
	s29 =	sshrl.u32 s11, $0x2;
	s14 =	smul.u32 $0x500, s24  }
0xe: {  	s16 =	ssub.s32 s26, s9;
	s7 =	sadd.s32 s29, s3;
	s18 =	smul.u32 $0xA, s24  }
0xf: {  	s30 =	sshrl.u32 s17, $0x3;
	s9 =	sadd.s32 $0x128400, s3;
	s17 =	sadd.s32 s19, s17  }
0x10: {  	p1 =	sgt.u32 s24, $0x1;
	s24 =	simm.s32 $0x50;
	s26 =	simm.s32 $0x0  }
0x11: {  	s11 =	sadd.s32 s15, s30;
	s31 =	sshrl.u32 s17, $0x3;
	s17 =	sshrl.u32 @p0 s9, $0x3  }
.Ltmp0:
0x12: {  	s19 =	sshrl.u32 @!p0 s7, $0x3;
	s8 =	sadd.s32 s14, s5;
	(pc) =	sbr.rel .LBB2_1-.Ltmp0, $4  }
0x13: {  	s11 =	sadd.s32 $0x25080, s11;
	s12 =	sadd.s32 s12, s18;
	s13 =	sadd.s32 s13, s14  }
0x14: {  	s14 =	sadd.s32 s15, s31;
	s15 =	smax.u32 s16, $0x1;
	s18 =	sshll.u32 @!p0 s2, $0x6  }
0x15: {  	s16 =	simm.s32 $0x2800;
	s5 =	sadd.s32 $0xD200, s8;
	s6 =	sadd.s32 $0x3200, s8  }
0x16: {  	s8 =	sadd.s32 s10, s28;
	s10 =	sadd.s32 $0x25080, s10;
	s18 =	sor.u32 @!p0 $0x1C02, s18  }
.LBB2_7:
0x17: {  	s28 =	sshrl.u32 s9, $0x3  }
0x18: {  	[hbm:s11], [sflag:s25] =	dma.local [spmem:s28], $0x2080  }
0x19: {  	_ =	swait.ge [sflag:s23], $0x2080  }
0x1a: {  	[sflag:s23] =	ssyncset.done $0x0  }
0x1b: {  	[sflag:s23] =	ssyncadd.s32 $0xFFFFDF80  }
.LBB2_8:
0x1c: {  	s26 =	sadd.s32 $0x1, s26  }
0x1d: {  	p2 =	sne.s32 s26, s15  }
.Ltmp1:
0x1e: {  	_ = 	snop;
	(pc) =	sbr.rel @!p2 .LBB2_9-.Ltmp1, $1  }
0x1f: {  	_ =	sdelay $0x3  }
.LBB2_1:
0x20: {  	[tilespmem:s4], [sflag:$0x1] =	stream.linear.gather [hbm4b:s5+s4], $0x2800, $0x38;
	[tilespmem:$0x1C880] =	vst v63  }
0x21: {  	s28 =	simm.s32 @p0 $0x1FC2  }
0x22: {  	[tilespmem:s16], [sflag:$0x1] =	stream.linear.gather [hbm4b:s6+s4], $0x2800, $0x38;
	[tilespmem:$0x1C880] =	vst v63  }
0x23: {  	[spmem:s17], [sflag:s28] =	dma.local @p0 [hbm:s10], $0x2080  }
0x24: {  	s28 =	simm.s32 @p0 $0x2  }
0x25: {  	_ =	swait.ge @p0 [sflag:s28], $0x2080  }
0x26: {  	[sflag:s28] =	ssyncset.done @p0 $0x0  }
0x27: {  	[sflag:s28] =	ssyncadd.s32 @p0 $0xFFFFDF80;
	s28 =	simm.s32 @!p0 $0x2  }
0x28: {  	[spmem:s19], [sflag:s18] =	dma.local @!p0 [hbm:s8], $0x2780  }
0x29: {  	_ =	swait.ge @!p0 [sflag:s28], $0x2780  }
0x2a: {  	[sflag:s28] =	ssyncset.done @!p0 $0x0  }
0x2b: {  	[sflag:s28] =	ssyncadd.s32 @!p0 $0xFFFFD880  }
0x2c: {  	_ =	swait.ge [sflag:s20], $0x2800  }
0x2d: {  	[sflag:s20] =	ssyncset.done $0x0  }
0x2e: {  	[sflag:s20] =	ssyncadd.s32 $0xFFFFD800  }
0x2f: {  	_ =	swait.ge [sflag:s20], $0x2800  }
0x30: {  	[sflag:s20] =	ssyncset.done $0x0  }
0x31: {  	[sflag:s20] =	ssyncadd.s32 $0xFFFFD800  }
0x32: {  	s28 =	simm.s32 $0x0;
	[bflag:$0x0] =	sbarrier.arrive $0xFFFF  }
0x33: {  	[tilespmem:s22], [sflag:$0x1] =	stream.indirect.gather [hbm4b:s0+s21], $0x80, s28, s21, $0xb8;
	[tilespmem:$0x1C880] =	vst v63  }
0x34: {  	_ =	swait.ge [sflag:s20], $0x3E80  }
0x35: {  	[sflag:s20] =	ssyncset.done $0x0  }
0x36: {  	s28 =	simm.s32 $0x2800;
	[sflag:s20] =	ssyncadd.s32 $0xFFFFC180  }
0x37: {  	[spmem:s3] =	stream.indirect.scatter.add.f32 [tilespmem:s22], [sflag:$0x2], $0x80, s28, s21, $0xb8;
	[tilespmem:$0x1C880] =	vst v63  }
0x38: {  	_ =	swait.ge [sflag:s23], $0x3E80  }
0x39: {  	s29 =	simm.s32 $0x400;
	s28 =	simm.s32 $0x200;
	[sflag:s23] =	ssyncset.done $0x0  }
.LBB2_2:
0x3a: {  	s30 =	sshra.s32 s28, $0x2  }
0x3b: {  	[sflag:s23] =	ssyncadd.s32 $0xFFFFC180;
	s28 =	smov.u32 s29;
	s31 =	sadd.s32 $0x200, s29  }
0x3c: {  	[tilespmem:s22], [sflag:$0x1] =	stream.indirect.gather [hbm4b:s0+s21], $0x80, s30, s21, $0xb8;
	[tilespmem:$0x1C880] =	vst v63  }
0x3d: {  	p2 =	sne.s32 s29, $0x9E00;
	_ =	swait.ge [sflag:s20], $0x3E80  }
.Ltmp2:
0x3e: {  	[sflag:s20] =	ssyncset.done $0x0;
	(pc) =	sbr.rel @p2 .LBB2_2-.Ltmp2, $4  }
0x3f: {  	s29 =	sadd.s32 $0x2800, s30;
	[sflag:s20] =	ssyncadd.s32 $0xFFFFC180  }
0x40: {  	[spmem:s3] =	stream.indirect.scatter.add.f32 [tilespmem:s22], [sflag:$0x2], $0x80, s29, s21, $0xb8;
	[tilespmem:$0x1C880] =	vst v63  }
0x41: {  	_ =	swait.ge [sflag:s23], $0x3E80  }
0x42: {  	s29 =	smov.u32 s31;
	[sflag:s23] =	ssyncset.done $0x0  }
0x43: {  	s28 =	sshra.s32 s28, $0x2;
	[sflag:s23] =	ssyncadd.s32 $0xFFFFC180  }
0x44: {  	[tilespmem:s22], [sflag:$0x1] =	stream.indirect.gather [hbm4b:s0+s21], $0x80, s28, s21, $0xb8;
	[tilespmem:$0x1C880] =	vst v63  }
0x45: {  	_ =	swait.ge [sflag:s20], $0x3E80  }
0x46: {  	[sflag:s20] =	ssyncset.done $0x0  }
.Ltmp3:
0x47: {  	s28 =	sadd.s32 $0x2800, s28;
	[sflag:s20] =	ssyncadd.s32 $0xFFFFC180;
	(pc) =	sbr.rel @p1 .LBB2_5-.Ltmp3, $4  }
0x48: {  	[spmem:s3] =	stream.indirect.scatter.add.f32 [tilespmem:s22], [sflag:$0x2], $0x80, s28, s21, $0xb8;
	[tilespmem:$0x1C880] =	vst v63  }
0x49: {  	_ =	swait.ge [sflag:s23], $0x3E80  }
0x4a: {  	[sflag:s23] =	ssyncset.done $0x0  }
0x4b: {  	[sflag:s23] =	ssyncadd.s32 $0xFFFFC180  }
0x4c: {  	[tilespmem:s4], [sflag:$0x2] =	stream.linear.gather [hbm4b:s12+s4], $0x50, $0x38;
	[tilespmem:$0x1C880] =	vst v63  }
0x4d: {  	_ =	swait.ge [sflag:s23], $0x50  }
0x4e: {  	[sflag:s23] =	ssyncset.done $0x0  }
0x4f: {  	[sflag:s23] =	ssyncadd.s32 $0xFFFFFFB0  }
0x50: {  	[tilespmem:s22], [sflag:$0x1] =	stream.indirect.gather [hbm4b:s0+s24], $0x80, s4, s24, $0xb8;
	[tilespmem:$0x1C880] =	vst v63  }
0x51: {  	_ =	swait.ge [sflag:s20], $0x2800  }
0x52: {  	[sflag:s20] =	ssyncset.done $0x0  }
0x53: {  	[sflag:s20] =	ssyncadd.s32 $0xFFFFD800  }
0x54: {  	[hbm4b:s13+s4] =	stream.linear.scatter [tilespmem:s22], [sflag:$0x2], $0x2800, $0x38;
	[tilespmem:$0x1C880] =	vst v63  }
.Ltmp4:
0x55: {  	_ =	swait.ge [sflag:s23], $0x2800;
	(pc) =	sbr.rel .LBB2_6-.Ltmp4, $3  }
0x56: {  	[sflag:s23] =	ssyncset.done $0x0  }
0x57: {  	[sflag:s23] =	ssyncadd.s32 $0xFFFFD800  }
0x58: {  	[bflag:$0x0] =	sbarrier.arrive $0xFFFF;
	_ =	sdelay $0x1  }
.LBB2_5:
.Ltmp5:
0x59: {  	(pc) =	sbr.rel @p0 .LBB2_7-.Ltmp5, $2  }
0x5a: {  	_ =	sdelay $0x1  }
0x5b: {  	[bflag:$0x0] =	sbarrier.arrive $0xFFFF;
	_ =	sdelay $0x1  }
.LBB2_6:
0x5c: {  	s28 =	sshll.u32 s2, $0x6  }
.Ltmp6:
0x5d: {  	s29 =	sshrl.u32 s7, $0x3;
	s28 =	sor.u32 $0x1C02, s28;
	(pc) =	sbr.rel .LBB2_8-.Ltmp6, $4  }
0x5e: {  	[hbm:s14], [sflag:s28] =	dma.local [spmem:s29], $0x2780  }
0x5f: {  	_ =	swait.ge [sflag:s23], $0x2780  }
0x60: {  	[sflag:s23] =	ssyncset.done $0x0  }
0x61: {  	[sflag:s23] =	ssyncadd.s32 $0xFFFFD880  }
.LBB2_9:
0x62: {  	_ =	sfence.sel $0x180000  }
0x63: {  	[bflag:$0x0] =	sbarrier.arrive $0xFFFF  }
0x64: {  	p0 =	sne.s32 s2, $0x0;
	_ =	strace $0x90000047  }
0x65: {  	s0 =	sadd.s32 @!p0 $0x100000, s1;
	[bflag:$0x2] =	sbarrier.arrive $0xFFFF  }
0x66: {  	[sflag:s0] =	ssyncadd.tile.s32 @!p0 $0x1;
	_ =	shalt  }
.Lfunc_end2:
_tile_overlayer_lowered:
.L_overlay_start_2:
0x67: {  	(tag) =	ssettag $0x2  }
0x68: {  	s0 =	rddreg [dreg:$0x0];
	s2 =	stileid.u32  }
0x69: {  	s1 =	rddreg [dreg:$0x1];
	p0 =	sne.s32 s2, $0x0  }
0x6a: {  	s3 =	rddreg [dreg:$0x2];
	[bflag:$0x3] =	sbarrier.arrive $0xFFFF;
	s2 =	simm.s32 @!p0 $0x1C02  }
0x6b: {  	[timem:s3], [sflag:s2] =	dma.local @!p0 [hbm:s0], s1  }
0x6c: {  	s0 =	simm.s32 @!p0 $0x2  }
0x6d: {  	_ =	swait.ge @!p0 [sflag:s0], s1  }
0x6e: {  	s1 =	ssub.s32 @!p0 $0x0, s1;
	[sflag:s0] =	ssyncset.done @!p0 $0x0  }
0x6f: {  	[sflag:s0] =	ssyncadd.s32 @!p0 s1  }
0x70: {  	[bflag:$0x3] =	sbarrier.arrive $0xFFFF  }
0x71: {  	_ =	shalt  }

// kernel: kernel.13.cloned.1.call-start
scs
__scs_entry_jumppad:
0x0: {  	(pc) =	sbr.rel $0x88, $3  }
0x1: {  	(tag) =	ssettag $0x0;
	lr =	simm.s32 $0x1  }
0x2: {  	[smem:$0x3F91] =	sst lr;
	_ =	strace $0xD0000000  }
0x3: {  	_ = 	snop  }
0x4: {  	_ = 	snop  }
0x5: {  	_ = 	snop  }
0x6: {  	_ = 	snop  }
0x7: {  	_ = 	snop  }
__scs_overlays_trampoline_lowered:
0x8: {  	[smem:$0x3FA0] =	sst s0  }
0x9: {  	[smem:$0x3FA1] =	sst s1  }
0xa: {  	[smem:$0x3FA2] =	sst s2  }
0xb: {  	[smem:$0x3FA3] =	sst s3  }
0xc: {  	[smem:$0x3FA4] =	sst s4  }
0xd: {  	[smem:$0x3FA5] =	sst s5  }
0xe: {  	[smem:$0x3FA6] =	sst s6  }
0xf: {  	[smem:$0x3FA7] =	sst s7  }
0x10: {  	[smem:$0x3FA8] =	sst s8  }
0x11: {  	[smem:$0x3FA9] =	sst s9;
	s0 =	simm.s32 @!p0 $0x0  }
0x12: {  	s1 =	sld [smem:$0x3F8F];
	s0 =	simm.s32 @p0 $0x1  }
0x13: {  	[smem:$0x3FAA] =	sst s0;
	s0 =	simm.s32 @!p1 $0x0  }
0x14: {  	s2 =	sld [smem:$0x3F8E];
	s0 =	simm.s32 @p1 $0x1  }
0x15: {  	[smem:$0x3FAB] =	sst s0;
	s0 =	simm.s32 @!p2 $0x0  }
0x16: {  	s3 =	sld [smem:$0x3FDB];
	s0 =	simm.s32 @p2 $0x1  }
0x17: {  	s4 =	simm.s32 $0x1BF5;
	[smem:$0x3FAD] =	sst s0  }
0x18: {  	s0 =	sld [smem:$0x3F90];
	_ =	swait.ge [sflag:s4], $0x0  }
0x19: {  	s7 =	sld [smem:$0x3F91]  }
0x1a: {  	s8 =	sadd.s32 $0xFFFFE003, lr  }
0x1b: {  	s9 =	sadd.s32 $0xFFFFFEF7, lr;
	s5 =	simm.s32 $0xFFFFFFFF;
	p2 =	slt.u32 s8, $0xFFFFF086  }
0x1c: {  	p1 =	slt.u32 s9, $0xF7A;
	s5 =	simm.s32 @!p2 $0x0  }
0x1d: {  	s5 =	simm.s32 @p1 $0x1;
	p0 =	seq.s32 s7, s2  }
0x1e: {  	s7 =	smul.u32 @!p0 $0xF7A, s2;
	p2 =	seq.s32 @!p0 s5, $0x0  }
0x1f: {  	s9 =	smul.u32 $0xF7A, s1;
	s8 =	simm.s32 @!p0 $0x1BF5;
	p2 =	por !p2, p0  }
0x20: {  	[sflag:s8] =	ssyncset.s32 @!p0 $0xFFFFF086;
	s6 =	sadd.s32 @!p0 s3, s7;
	s7 =	simm.s32 @!p0 $0x108  }
0x21: {  	s3 =	sadd.s32 s3, s9;
	s6 =	sadd.s32 @!p0 $0x88, s6;
	s7 =	simm.s32 @p2 $0x1082  }
0x22: {  	[simem:s7], [sflag:s8] =	dma.local @!p0 [hbm:s6], $0xF7A  }
0x23: {  	s9 =	sor.u32 $0xD0000000, s2;
	s6 =	simm.s32 $0x108;
	_ =	swait.ge @!p0 [sflag:s8], $0x0  }
0x24: {  	s3 =	sadd.s32 $0x88, s3;
	s6 =	simm.s32 @!p1 $0x1082;
	[sflag:s4] =	ssyncset.s32 $0xFFFFF086  }
0x25: {  	[simem:s6], [sflag:s4] =	dma.local [hbm:s3], $0xF7A  }
0x26: {  	[smem:$0x3F91] =	sst s1;
	(tag) =	ssettag s2;
	_ =	strace s9  }
0x27: {  	s1 =	sld [smem:$0x3FA1]  }
0x28: {  	s2 =	sld [smem:$0x3FA2]  }
0x29: {  	s4 =	sld [smem:$0x3FA4]  }
0x2a: {  	p0 =	seq.s32 s5, $0x0;
	s5 =	sld [smem:$0x3FA5]  }
0x2b: {  	s6 =	sld [smem:$0x3FA6]  }
0x2c: {  	s7 =	sld [smem:$0x3FA7]  }
0x2d: {  	s3 =	simm.s32 $0x108;
	s8 =	sld [smem:$0x3FA8]  }
0x2e: {  	s3 =	simm.s32 @!p0 $0x1082;
	s9 =	sld [smem:$0x3FA9]  }
0x2f: {  	lr =	sadd.s32 s0, s3;
	s0 =	sld [smem:$0x3FA0]  }
0x30: {  	s3 =	sld [smem:$0x3FA3]  }
0x31: {  	[smem:$0x3FAC] =	sst s10  }
0x32: {  	s10 =	sld [smem:$0x3FAA];
	_ =	sdelay $0x3  }
0x33: {  	p0 =	seq.s32 s10, $0x1;
	s10 =	sld [smem:$0x3FAC];
	_ =	sdelay $0x3  }
0x34: {  	[smem:$0x3FAC] =	sst s10  }
0x35: {  	s10 =	sld [smem:$0x3FAB];
	_ =	sdelay $0x3  }
0x36: {  	p1 =	seq.s32 s10, $0x1;
	s10 =	sld [smem:$0x3FAC];
	_ =	sdelay $0x3  }
0x37: {  	[smem:$0x3FAC] =	sst s10  }
0x38: {  	s10 =	sld [smem:$0x3FAD]  }
0x39: {  	_ = 	snop;
	(pc) =	sbr.ind lr, $3  }
0x3a: {  	_ = 	snop  }
0x3b: {  	_ = 	snop  }
0x3c: {  	p2 =	seq.s32 s10, $0x1;
	s10 =	sld [smem:$0x3FAC]  }
0x3d: {  	_ =	shalt  }
0x3e: {  	_ =	shalt  }
0x3f: {  	_ =	shalt  }
0x40: {  	_ =	shalt  }
0x41: {  	_ =	shalt  }
0x42: {  	_ =	shalt  }
0x43: {  	_ =	shalt  }
0x44: {  	_ =	shalt  }
0x45: {  	_ =	shalt  }
0x46: {  	_ =	shalt  }
0x47: {  	_ =	shalt  }
0x48: {  	_ =	shalt  }
0x49: {  	_ =	shalt  }
0x4a: {  	_ =	shalt  }
0x4b: {  	_ =	shalt  }
0x4c: {  	_ =	shalt  }
0x4d: {  	_ =	shalt  }
0x4e: {  	_ =	shalt  }
0x4f: {  	_ =	shalt  }
0x50: {  	_ =	shalt  }
0x51: {  	_ =	shalt  }
0x52: {  	_ =	shalt  }
0x53: {  	_ =	shalt  }
0x54: {  	_ =	shalt  }
0x55: {  	_ =	shalt  }
0x56: {  	_ =	shalt  }
0x57: {  	_ =	shalt  }
0x58: {  	_ =	shalt  }
0x59: {  	_ =	shalt  }
0x5a: {  	_ =	shalt  }
0x5b: {  	_ =	shalt  }
0x5c: {  	_ =	shalt  }
0x5d: {  	_ =	shalt  }
0x5e: {  	_ =	shalt  }
0x5f: {  	_ =	shalt  }
0x60: {  	_ =	shalt  }
0x61: {  	_ =	shalt  }
0x62: {  	_ =	shalt  }
0x63: {  	_ =	shalt  }
0x64: {  	_ =	shalt  }
0x65: {  	_ =	shalt  }
0x66: {  	_ =	shalt  }
0x67: {  	_ =	shalt  }
0x68: {  	_ =	shalt  }
0x69: {  	_ =	shalt  }
0x6a: {  	_ =	shalt  }
0x6b: {  	_ =	shalt  }
0x6c: {  	_ =	shalt  }
0x6d: {  	_ =	shalt  }
0x6e: {  	_ =	shalt  }
0x6f: {  	_ =	shalt  }
0x70: {  	_ =	shalt  }
0x71: {  	_ =	shalt  }
0x72: {  	_ =	shalt  }
0x73: {  	_ =	shalt  }
0x74: {  	_ =	shalt  }
0x75: {  	_ =	shalt  }
0x76: {  	_ =	shalt  }
0x77: {  	_ =	shalt  }
0x78: {  	_ =	shalt  }
0x79: {  	_ =	shalt  }
0x7a: {  	_ =	shalt  }
0x7b: {  	_ =	shalt  }
0x7c: {  	_ =	shalt  }
0x7d: {  	_ =	shalt  }
0x7e: {  	_ =	shalt  }
0x7f: {  	_ =	shalt  }
0x80: {  	_ =	shalt  }
0x81: {  	_ =	shalt  }
0x82: {  	_ =	shalt  }
0x83: {  	_ =	shalt  }
0x84: {  	_ =	shalt  }
0x85: {  	_ =	shalt  }
0x86: {  	_ =	shalt  }
0x87: {  	_ =	shalt  }
.Lfunc_end0:
.L_simem_size_0:
called_computation.1_lowered:
.L_overlay_start_0:
0x88: {  	s2 =	sld [smem:$0x3FD9]  }
0x89: {  	s3 =	sld [smem:$0x3FFE];
	_ =	sdelay $0x1  }
0x8a: {  	s1 =	srdreg.scid  }
0x8b: {  	s0 =	sand.u32 $0x1, s1  }
0x8c: {  	s14 =	sshll.u32 s0, $0xA;
	s2 =	sadd.s32 s3, s2  }
0x8d: {  	s2 =	sadd.s32 s2, s14  }
0x8e: {  	[smem:$0x3FB8] =	sst s2  }
0x8f: {  	_ = 	snop  }
0x90: {  	s2 =	sld [smem:$0x3FD0];
	_ =	sdelay $0x2  }
0x91: {  	s15 =	simm.s32 $0xA;
	s4 =	simm.s32 $0x10  }
0x92: {  	[smem:s4], [sflag:s15] =	dma.local [hbm:s2], $0x1  }
0x93: {  	_ =	swait.eq [sflag:s15], $0x1  }
0x94: {  	[sflag:s15] =	ssyncset.done $0x0  }
0x95: {  	s16 =	sld [smem:$0x11];
	[sflag:s15] =	ssyncadd.s32 $0xFFFFFFFF  }
0x96: {  	s17 =	sld [smem:$0x12];
	(tm) =	ssettm $0x1  }
0x97: {  	s18 =	sld [smem:$0x3FFB];
	_ =	sdelay $0x3  }
0x98: {  	_ =	strace s18  }
0x99: {  	s4 =	sld [smem:$0x3FFC];
	_ =	sdelay $0x3  }
0x9a: {  	_ =	strace s4  }
0x9b: {  	s4 =	sld [smem:$0x3FFD];
	_ =	sdelay $0x3  }
0x9c: {  	_ =	strace s4  }
0x9d: {  	_ =	strace $0x8FFFFFFF  }
0x9e: {  	s19 =	sld [smem:$0x3FDB];
	_ =	sdelay $0x1  }
0x9f: {  	s5 =	simm.s32 $_scs_section_size  }
0xa0: {  	s6 =	simm.s32 $_size__tile_overlayer_lowered;
	s7 =	simm.s32 $_tile_overlayer_lowered  }
0xa1: {  	s22 =	simm.s32 $0x1BFF;
	s21 =	sshll.u32 s7, $0x1;
	s4 =	sadd.s32 s5, s19  }
0xa2: {  	s8 =	simm.s32 $0x0;
	s20 =	sshll.u32 s6, $0x1;
	s6 =	sadd.s32 s21, s4  }
0xa3: {  	[timem:s8], [sflag:s22] =	dma.local [hbm:s6], s20  }
0xa4: {  	_ =	swait.ge [sflag:s22], s20  }
0xa5: {  	s5 =	ssub.s32 $0x0, s20;
	[sflag:s22] =	ssyncset.done $0x0  }
0xa6: {  	[sflag:s22] =	ssyncadd.s32 s5;
	_ =	sdelay $0x1  }
0xa7: {  	s23 =	simm.s32 $0x1B8B  }
0xa8: {  	_ =	swait.ge [sflag:s23], $0x1  }
0xa9: {  	[sflag:s23] =	ssyncset.done $0x0  }
0xaa: {  	s25 =	simm.s32 $0x1B8E;
	s24 =	sld [smem:$0x3FFE];
	[sflag:s23] =	ssyncadd.s32 $0xFFFFFFFF  }
0xab: {  	s26 =	simm.s32 $execute0_lowered;
	[smem:$0x3FD2] =	sst s25  }
0xac: {  	s6 =	sshll.u32 s26, $0x1;
	_ =	strace $0x80000049;
	[dreg:$0x1] =	wrdreg $0xFFFFFFFF  }
0xad: {  	s28 =	simm.s32 $_size_execute0_lowered;
	s4 =	sadd.s32 s4, s6;
	[dreg:$0x0] =	wrdreg $0x0  }
0xae: {  	s6 =	sshll.u32 s28, $0x1;
	[dreg:$0x2] =	wrdreg s4  }
0xaf: {  	[dreg:$0x3] =	wrdreg s6  }
0xb0: {  	[dreg:$0x4] =	wrdreg $0xC0  }
0xb1: {  	_ =	task [dreg:s8], $0x5FFFF  }
0xb2: {  	[dreg:$0x1] =	wrdreg $0xFFFFFFFF  }
0xb3: {  	[dreg:$0x0] =	wrdreg $0x60  }
0xb4: {  	[dreg:$0x2] =	wrdreg s17  }
0xb5: {  	[dreg:$0x3] =	wrdreg s24  }
0xb6: {  	[dreg:$0x4] =	wrdreg s16  }
0xb7: {  	[dreg:$0x5] =	wrdreg $0x90000  }
0xb8: {  	[dreg:$0x6] =	wrdreg $0x9  }
0xb9: {  	_ =	task.clear_ibuf [dreg:s8], $0x7FFFF;
	_ =	strace $0x90000049  }
0xba: {  	s29 =	simm.s32 $0x9;
	_ =	strace $0x8000004B  }
0xbb: {  	_ =	swait.ge [sflag:s29], $0x1  }
0xbc: {  	[sflag:s29] =	ssyncadd.s32 $0xFFFFFFFF  }
0xbd: {  	_ =	strace $0x9000004B  }
0xbe: {  	_ =	sfence  }
0xbf: {  	s30 =	sld [smem:$0x0];
	_ =	sdelay $0x2  }
0xc0: {  	s31 =	sshll.u32 s1, $0xD;
	s1 =	sshrl.u32 s1, $0x2  }
0xc1: {  	s3 =	sand.u32 $0x4000, s31;
	s1 =	sadd.s32 s1, s30  }
0xc2: {  	s0 =	sor.u32 s3, s0;
	s1 =	sshll.u32 s1, $0x11  }
0xc3: {  	s0 =	sor.u32 s1, s0  }
0xc4: {  	s0 =	sadd.s32 $0x8F2B, s0  }
0xc5: {  	[sflag:s0] =	ssyncadd.remote.s32 $0x1  }
0xc6: {  	_ =	sfence.sel $0xFFFF  }
0xc7: {  	[dreg:$0x0] =	wrdreg $0xFFFFFFFF;
	(pc) =	sbr.abs _section_cstart, $3  }
0xc8: {  	[dreg:$0x1] =	wrdreg $0xFFFFFFFF  }
0xc9: {  	_ =	task.clear_ibuf [dreg:s8], $0x2FFFF;
	_ =	strace $0x9FFFFFFF  }
0xca: {  	(tm) =	ssettm $0x7FFFFFFF  }
0xcb: {  	_ =	shalt  }
tec
execute0_lowered:
.L_overlay_start_1:
0x0: {  	(tag) =	ssettag $0x1  }
0x1: {  	s0 =	rddreg [dreg:$0x0]  }
0x2: {  	s5 =	rddreg [dreg:$0x1]  }
0x3: {  	s1 =	srdreg.scid;
	s8 =	rddreg [dreg:$0x2]  }
0x4: {  	s3 =	rddreg [dreg:$0x3];
	s2 =	stileid.u32  }
0x5: {  	s4 =	simm.s32 $0x0;
	s17 =	simm.s32 $0x7D;
	s18 =	simm.s32 $0x5000  }
0x6: {  	s19 =	simm.s32 $0x2;
	s20 =	simm.s32 $0x0;
	s9 =	smul.u32 $0x4F000, s2  }
0x7: {  	s6 =	sand.u32 $0x1, s1;
	s1 =	rddreg [dreg:$0x4];
	s11 =	smul.u32 $0x2780, s2  }
0x8: {  	[smem:$0x7FF] =	sst s4;
	s12 =	sadd.s32 $0x17200, s5;
	s29 =	smul.u32 $0x13C00, s2  }
0x9: {  	s16 =	sadd.s32 $0x128400, s3;
	p0 =	seq.s32 s2, $0xF;
	s7 =	sshll.u32 s6, $0x4  }
0xa: {  	_ =	strace $0x8000004A;
	s10 =	ssub.s32 $0x2, s6;
	s13 =	smul.u32 $0x138800, s6  }
0xb: {  	s7 =	sor.u32 s2, s7;
	s28 =	sshrl.u32 s10, $0x1;
	s9 =	sshrl.u32 s9, $0x2  }
0xc: {  	s7 =	smul.u32 $0x500, s7;
	s14 =	ssub.s32 s10, s28;
	s15 =	sadd.s32 s9, s3  }
0xd: {  	s30 =	sadd.s32 s29, s13;
	s31 =	sshrl.u32 s13, $0x3;
	s13 =	sshrl.u32 @p0 s16, $0x3  }
0xe: {  	s16 =	simm.s32 $0x1;
	s9 =	sshrl.u32 s30, $0x3;
	s10 =	sadd.s32 s12, s31  }
0xf: {  	s15 =	sshrl.u32 @!p0 s15, $0x3;
	s7 =	sadd.s32 s7, s5;
	s9 =	sadd.s32 s12, s9  }
0x10: {  	s10 =	sadd.s32 $0x25080, s10;
	s5 =	sadd.s32 $0x6F400, s7;
	s6 =	sadd.s32 $0x65400, s7  }
0x11: {  	s7 =	sadd.s32 s8, s11;
	s11 =	smax.u32 s14, $0x1;
	s14 =	sshll.u32 @!p0 s2, $0x6  }
0x12: {  	s12 =	simm.s32 $0x2800;
	s8 =	sadd.s32 $0x25080, s8;
	s14 =	sor.u32 @!p0 $0x1C02, s14  }
.LBB2_1:
0x13: {  	[tilespmem:s4], [sflag:$0x1] =	stream.linear.gather [hbm4b:s5+s4], $0x2800, $0x38;
	[tilespmem:$0x1C880] =	vst v63  }
0x14: {  	s21 =	simm.s32 @p0 $0x1FC2  }
0x15: {  	[tilespmem:s12], [sflag:$0x1] =	stream.linear.gather [hbm4b:s6+s4], $0x2800, $0x38;
	[tilespmem:$0x1C880] =	vst v63  }
0x16: {  	[spmem:s13], [sflag:s21] =	dma.local @p0 [hbm:s8], $0x2080  }
0x17: {  	s21 =	simm.s32 @p0 $0x2  }
0x18: {  	_ =	swait.ge @p0 [sflag:s21], $0x2080  }
0x19: {  	[sflag:s21] =	ssyncset.done @p0 $0x0  }
0x1a: {  	[sflag:s21] =	ssyncadd.s32 @p0 $0xFFFFDF80;
	s21 =	simm.s32 @!p0 $0x2  }
0x1b: {  	[spmem:s15], [sflag:s14] =	dma.local @!p0 [hbm:s7], $0x2780  }
0x1c: {  	_ =	swait.ge @!p0 [sflag:s21], $0x2780  }
0x1d: {  	[sflag:s21] =	ssyncset.done @!p0 $0x0  }
0x1e: {  	[sflag:s21] =	ssyncadd.s32 @!p0 $0xFFFFD880  }
0x1f: {  	_ =	swait.ge [sflag:s16], $0x2800  }
0x20: {  	[sflag:s16] =	ssyncset.done $0x0  }
0x21: {  	[sflag:s16] =	ssyncadd.s32 $0xFFFFD800  }
0x22: {  	_ =	swait.ge [sflag:s16], $0x2800  }
0x23: {  	[sflag:s16] =	ssyncset.done $0x0  }
0x24: {  	[sflag:s16] =	ssyncadd.s32 $0xFFFFD800  }
0x25: {  	s30 =	simm.s32 $0x0;
	[bflag:$0x0] =	sbarrier.arrive $0xFFFF  }
0x26: {  	[tilespmem:s18], [sflag:$0x1] =	stream.indirect.gather [hbm4b:s0+s17], $0x80, s30, s17, $0xb8;
	[tilespmem:$0x1C880] =	vst v63  }
0x27: {  	_ =	swait.ge [sflag:s16], $0x3E80  }
0x28: {  	[sflag:s16] =	ssyncset.done $0x0  }
0x29: {  	s31 =	simm.s32 $0x2800;
	[sflag:s16] =	ssyncadd.s32 $0xFFFFC180  }
0x2a: {  	[spmem:s3] =	stream.indirect.scatter.add.f32 [tilespmem:s18], [sflag:$0x2], $0x80, s31, s17, $0xb8;
	[tilespmem:$0x1C880] =	vst v63  }
0x2b: {  	_ =	swait.ge [sflag:s19], $0x3E80  }
0x2c: {  	s22 =	simm.s32 $0x400;
	s21 =	simm.s32 $0x200;
	[sflag:s19] =	ssyncset.done $0x0  }
.LBB2_2:
0x2d: {  	s23 =	sshra.s32 s21, $0x2  }
0x2e: {  	[sflag:s19] =	ssyncadd.s32 $0xFFFFC180;
	s21 =	smov.u32 s22;
	s24 =	sadd.s32 $0x200, s22  }
0x2f: {  	[tilespmem:s18], [sflag:$0x1] =	stream.indirect.gather [hbm4b:s0+s17], $0x80, s23, s17, $0xb8;
	[tilespmem:$0x1C880] =	vst v63  }
0x30: {  	p1 =	sne.s32 s22, $0x9E00;
	_ =	swait.ge [sflag:s16], $0x3E80  }
.Ltmp0:
0x31: {  	[sflag:s16] =	ssyncset.done $0x0;
	(pc) =	sbr.rel @p1 .LBB2_2-.Ltmp0, $4  }
0x32: {  	s22 =	sadd.s32 $0x2800, s23;
	[sflag:s16] =	ssyncadd.s32 $0xFFFFC180  }
0x33: {  	[spmem:s3] =	stream.indirect.scatter.add.f32 [tilespmem:s18], [sflag:$0x2], $0x80, s22, s17, $0xb8;
	[tilespmem:$0x1C880] =	vst v63  }
0x34: {  	_ =	swait.ge [sflag:s19], $0x3E80  }
0x35: {  	s22 =	smov.u32 s24;
	[sflag:s19] =	ssyncset.done $0x0  }
0x36: {  	s21 =	sshra.s32 s21, $0x2;
	[sflag:s19] =	ssyncadd.s32 $0xFFFFC180  }
0x37: {  	[tilespmem:s18], [sflag:$0x1] =	stream.indirect.gather [hbm4b:s0+s17], $0x80, s21, s17, $0xb8;
	[tilespmem:$0x1C880] =	vst v63  }
0x38: {  	_ =	swait.ge [sflag:s16], $0x3E80  }
0x39: {  	[sflag:s16] =	ssyncset.done $0x0  }
0x3a: {  	s21 =	sadd.s32 $0x2800, s21;
	[sflag:s16] =	ssyncadd.s32 $0xFFFFC180  }
0x3b: {  	[spmem:s3] =	stream.indirect.scatter.add.f32 [tilespmem:s18], [sflag:$0x2], $0x80, s21, s17, $0xb8;
	[tilespmem:$0x1C880] =	vst v63  }
0x3c: {  	_ =	swait.ge [sflag:s19], $0x3E80  }
0x3d: {  	[sflag:s19] =	ssyncset.done $0x0  }
0x3e: {  	[sflag:s19] =	ssyncadd.s32 $0xFFFFC180  }
0x3f: {  	s21 =	simm.s32 @p0 $0x1FC2;
	[bflag:$0x0] =	sbarrier.arrive $0xFFFF  }
0x40: {  	[hbm:s10], [sflag:s21] =	dma.local @p0 [spmem:s13], $0x2080  }
0x41: {  	s21 =	simm.s32 @p0 $0x2  }
0x42: {  	s20 =	sadd.s32 $0x1, s20;
	_ =	swait.ge @p0 [sflag:s21], $0x2080  }
0x43: {  	p1 =	sne.s32 s20, s11;
	[sflag:s21] =	ssyncset.done @p0 $0x0  }
.Ltmp1:
0x44: {  	[sflag:s21] =	ssyncadd.s32 @p0 $0xFFFFDF80;
	s21 =	simm.s32 @!p0 $0x2;
	(pc) =	sbr.rel @p1 .LBB2_1-.Ltmp1, $4  }
0x45: {  	[hbm:s9], [sflag:s14] =	dma.local @!p0 [spmem:s15], $0x2780  }
0x46: {  	_ =	swait.ge @!p0 [sflag:s21], $0x2780  }
0x47: {  	[sflag:s21] =	ssyncset.done @!p0 $0x0  }
0x48: {  	[sflag:s21] =	ssyncadd.s32 @!p0 $0xFFFFD880  }
0x49: {  	_ =	sfence.sel $0x180000  }
0x4a: {  	[bflag:$0x0] =	sbarrier.arrive $0xFFFF  }
0x4b: {  	p0 =	sne.s32 s2, $0x0;
	_ =	strace $0x9000004A  }
0x4c: {  	s0 =	sadd.s32 @!p0 $0x100000, s1;
	[bflag:$0x2] =	sbarrier.arrive $0xFFFF  }
0x4d: {  	[sflag:s0] =	ssyncadd.tile.s32 @!p0 $0x1;
	_ =	shalt  }
.Lfunc_end2:
_tile_overlayer_lowered:
.L_overlay_start_2:
0x4e: {  	(tag) =	ssettag $0x2  }
0x4f: {  	s0 =	rddreg [dreg:$0x0];
	s2 =	stileid.u32  }
0x50: {  	s1 =	rddreg [dreg:$0x1];
	p0 =	sne.s32 s2, $0x0  }
0x51: {  	s3 =	rddreg [dreg:$0x2];
	[bflag:$0x3] =	sbarrier.arrive $0xFFFF;
	s2 =	simm.s32 @!p0 $0x1C02  }
0x52: {  	[timem:s3], [sflag:s2] =	dma.local @!p0 [hbm:s0], s1  }
0x53: {  	s0 =	simm.s32 @!p0 $0x2  }
0x54: {  	_ =	swait.ge @!p0 [sflag:s0], s1  }
0x55: {  	s1 =	ssub.s32 @!p0 $0x0, s1;
	[sflag:s0] =	ssyncset.done @!p0 $0x0  }
0x56: {  	[sflag:s0] =	ssyncadd.s32 @!p0 s1  }
0x57: {  	[bflag:$0x3] =	sbarrier.arrive $0xFFFF  }
0x58: {  	_ =	shalt  }

// kernel: kernel.16.cloned.1.call-start
scs
__scs_entry_jumppad:
0x0: {  	(pc) =	sbr.rel $0x88, $3  }
0x1: {  	(tag) =	ssettag $0x0;
	lr =	simm.s32 $0x1  }
0x2: {  	[smem:$0x3F91] =	sst lr;
	_ =	strace $0xD0000000  }
0x3: {  	_ = 	snop  }
0x4: {  	_ = 	snop  }
0x5: {  	_ = 	snop  }
0x6: {  	_ = 	snop  }
0x7: {  	_ = 	snop  }
__scs_overlays_trampoline_lowered:
0x8: {  	[smem:$0x3FA0] =	sst s0  }
0x9: {  	[smem:$0x3FA1] =	sst s1  }
0xa: {  	[smem:$0x3FA2] =	sst s2  }
0xb: {  	[smem:$0x3FA3] =	sst s3  }
0xc: {  	[smem:$0x3FA4] =	sst s4  }
0xd: {  	[smem:$0x3FA5] =	sst s5  }
0xe: {  	[smem:$0x3FA6] =	sst s6  }
0xf: {  	[smem:$0x3FA7] =	sst s7  }
0x10: {  	[smem:$0x3FA8] =	sst s8  }
0x11: {  	[smem:$0x3FA9] =	sst s9;
	s0 =	simm.s32 @!p0 $0x0  }
0x12: {  	s1 =	sld [smem:$0x3F8F];
	s0 =	simm.s32 @p0 $0x1  }
0x13: {  	[smem:$0x3FAA] =	sst s0;
	s0 =	simm.s32 @!p1 $0x0  }
0x14: {  	s2 =	sld [smem:$0x3F8E];
	s0 =	simm.s32 @p1 $0x1  }
0x15: {  	[smem:$0x3FAB] =	sst s0;
	s0 =	simm.s32 @!p2 $0x0  }
0x16: {  	s3 =	sld [smem:$0x3FDB];
	s0 =	simm.s32 @p2 $0x1  }
0x17: {  	s4 =	simm.s32 $0x1BF5;
	[smem:$0x3FAD] =	sst s0  }
0x18: {  	s0 =	sld [smem:$0x3F90];
	_ =	swait.ge [sflag:s4], $0x0  }
0x19: {  	s7 =	sld [smem:$0x3F91]  }
0x1a: {  	s8 =	sadd.s32 $0xFFFFE003, lr  }
0x1b: {  	s9 =	sadd.s32 $0xFFFFFEF7, lr;
	s5 =	simm.s32 $0xFFFFFFFF;
	p2 =	slt.u32 s8, $0xFFFFF086  }
0x1c: {  	p1 =	slt.u32 s9, $0xF7A;
	s5 =	simm.s32 @!p2 $0x0  }
0x1d: {  	s5 =	simm.s32 @p1 $0x1;
	p0 =	seq.s32 s7, s2  }
0x1e: {  	s7 =	smul.u32 @!p0 $0xF7A, s2;
	p2 =	seq.s32 @!p0 s5, $0x0  }
0x1f: {  	s9 =	smul.u32 $0xF7A, s1;
	s8 =	simm.s32 @!p0 $0x1BF5;
	p2 =	por !p2, p0  }
0x20: {  	[sflag:s8] =	ssyncset.s32 @!p0 $0xFFFFF086;
	s6 =	sadd.s32 @!p0 s3, s7;
	s7 =	simm.s32 @!p0 $0x108  }
0x21: {  	s3 =	sadd.s32 s3, s9;
	s6 =	sadd.s32 @!p0 $0x88, s6;
	s7 =	simm.s32 @p2 $0x1082  }
0x22: {  	[simem:s7], [sflag:s8] =	dma.local @!p0 [hbm:s6], $0xF7A  }
0x23: {  	s9 =	sor.u32 $0xD0000000, s2;
	s6 =	simm.s32 $0x108;
	_ =	swait.ge @!p0 [sflag:s8], $0x0  }
0x24: {  	s3 =	sadd.s32 $0x88, s3;
	s6 =	simm.s32 @!p1 $0x1082;
	[sflag:s4] =	ssyncset.s32 $0xFFFFF086  }
0x25: {  	[simem:s6], [sflag:s4] =	dma.local [hbm:s3], $0xF7A  }
0x26: {  	[smem:$0x3F91] =	sst s1;
	(tag) =	ssettag s2;
	_ =	strace s9  }
0x27: {  	s1 =	sld [smem:$0x3FA1]  }
0x28: {  	s2 =	sld [smem:$0x3FA2]  }
0x29: {  	s4 =	sld [smem:$0x3FA4]  }
0x2a: {  	p0 =	seq.s32 s5, $0x0;
	s5 =	sld [smem:$0x3FA5]  }
0x2b: {  	s6 =	sld [smem:$0x3FA6]  }
0x2c: {  	s7 =	sld [smem:$0x3FA7]  }
0x2d: {  	s3 =	simm.s32 $0x108;
	s8 =	sld [smem:$0x3FA8]  }
0x2e: {  	s3 =	simm.s32 @!p0 $0x1082;
	s9 =	sld [smem:$0x3FA9]  }
0x2f: {  	lr =	sadd.s32 s0, s3;
	s0 =	sld [smem:$0x3FA0]  }
0x30: {  	s3 =	sld [smem:$0x3FA3]  }
0x31: {  	[smem:$0x3FAC] =	sst s10  }
0x32: {  	s10 =	sld [smem:$0x3FAA];
	_ =	sdelay $0x3  }
0x33: {  	p0 =	seq.s32 s10, $0x1;
	s10 =	sld [smem:$0x3FAC];
	_ =	sdelay $0x3  }
0x34: {  	[smem:$0x3FAC] =	sst s10  }
0x35: {  	s10 =	sld [smem:$0x3FAB];
	_ =	sdelay $0x3  }
0x36: {  	p1 =	seq.s32 s10, $0x1;
	s10 =	sld [smem:$0x3FAC];
	_ =	sdelay $0x3  }
0x37: {  	[smem:$0x3FAC] =	sst s10  }
0x38: {  	s10 =	sld [smem:$0x3FAD]  }
0x39: {  	_ = 	snop;
	(pc) =	sbr.ind lr, $3  }
0x3a: {  	_ = 	snop  }
0x3b: {  	_ = 	snop  }
0x3c: {  	p2 =	seq.s32 s10, $0x1;
	s10 =	sld [smem:$0x3FAC]  }
0x3d: {  	_ =	shalt  }
0x3e: {  	_ =	shalt  }
0x3f: {  	_ =	shalt  }
0x40: {  	_ =	shalt  }
0x41: {  	_ =	shalt  }
0x42: {  	_ =	shalt  }
0x43: {  	_ =	shalt  }
0x44: {  	_ =	shalt  }
0x45: {  	_ =	shalt  }
0x46: {  	_ =	shalt  }
0x47: {  	_ =	shalt  }
0x48: {  	_ =	shalt  }
0x49: {  	_ =	shalt  }
0x4a: {  	_ =	shalt  }
0x4b: {  	_ =	shalt  }
0x4c: {  	_ =	shalt  }
0x4d: {  	_ =	shalt  }
0x4e: {  	_ =	shalt  }
0x4f: {  	_ =	shalt  }
0x50: {  	_ =	shalt  }
0x51: {  	_ =	shalt  }
0x52: {  	_ =	shalt  }
0x53: {  	_ =	shalt  }
0x54: {  	_ =	shalt  }
0x55: {  	_ =	shalt  }
0x56: {  	_ =	shalt  }
0x57: {  	_ =	shalt  }
0x58: {  	_ =	shalt  }
0x59: {  	_ =	shalt  }
0x5a: {  	_ =	shalt  }
0x5b: {  	_ =	shalt  }
0x5c: {  	_ =	shalt  }
0x5d: {  	_ =	shalt  }
0x5e: {  	_ =	shalt  }
0x5f: {  	_ =	shalt  }
0x60: {  	_ =	shalt  }
0x61: {  	_ =	shalt  }
0x62: {  	_ =	shalt  }
0x63: {  	_ =	shalt  }
0x64: {  	_ =	shalt  }
0x65: {  	_ =	shalt  }
0x66: {  	_ =	shalt  }
0x67: {  	_ =	shalt  }
0x68: {  	_ =	shalt  }
0x69: {  	_ =	shalt  }
0x6a: {  	_ =	shalt  }
0x6b: {  	_ =	shalt  }
0x6c: {  	_ =	shalt  }
0x6d: {  	_ =	shalt  }
0x6e: {  	_ =	shalt  }
0x6f: {  	_ =	shalt  }
0x70: {  	_ =	shalt  }
0x71: {  	_ =	shalt  }
0x72: {  	_ =	shalt  }
0x73: {  	_ =	shalt  }
0x74: {  	_ =	shalt  }
0x75: {  	_ =	shalt  }
0x76: {  	_ =	shalt  }
0x77: {  	_ =	shalt  }
0x78: {  	_ =	shalt  }
0x79: {  	_ =	shalt  }
0x7a: {  	_ =	shalt  }
0x7b: {  	_ =	shalt  }
0x7c: {  	_ =	shalt  }
0x7d: {  	_ =	shalt  }
0x7e: {  	_ =	shalt  }
0x7f: {  	_ =	shalt  }
0x80: {  	_ =	shalt  }
0x81: {  	_ =	shalt  }
0x82: {  	_ =	shalt  }
0x83: {  	_ =	shalt  }
0x84: {  	_ =	shalt  }
0x85: {  	_ =	shalt  }
0x86: {  	_ =	shalt  }
0x87: {  	_ =	shalt  }
.Lfunc_end0:
.L_simem_size_0:
called_computation.2_lowered:
.L_overlay_start_0:
0x88: {  	s2 =	sld [smem:$0x3FD9]  }
0x89: {  	s3 =	sld [smem:$0x3FFE];
	_ =	sdelay $0x1  }
0x8a: {  	s1 =	srdreg.scid  }
0x8b: {  	s0 =	sand.u32 $0x1, s1  }
0x8c: {  	s14 =	sshll.u32 s0, $0xA;
	s2 =	sadd.s32 s3, s2  }
0x8d: {  	s2 =	sadd.s32 s2, s14  }
0x8e: {  	[smem:$0x3FB8] =	sst s2  }
0x8f: {  	_ = 	snop  }
0x90: {  	s2 =	sld [smem:$0x3FD0];
	_ =	sdelay $0x2  }
0x91: {  	s4 =	simm.s32 $0xA;
	s5 =	simm.s32 $0x10;
	s15 =	sld [smem:$0x3FC9]  }
0x92: {  	[smem:s5], [sflag:s4] =	dma.local [hbm:s2], $0x1  }
0x93: {  	_ =	swait.eq [sflag:s4], $0x1  }
0x94: {  	s16 =	sld [smem:$0x10];
	[sflag:s4] =	ssyncset.done $0x0  }
0x95: {  	s17 =	sld [smem:$0x11];
	[sflag:s4] =	ssyncadd.s32 $0xFFFFFFFF  }
0x96: {  	s18 =	sld [smem:$0x12];
	(tm) =	ssettm $0x1  }
0x97: {  	s6 =	sld [smem:$0x3FFB];
	_ =	sdelay $0x3  }
0x98: {  	_ =	strace s6  }
0x99: {  	s6 =	sld [smem:$0x3FFC];
	_ =	sdelay $0x3  }
0x9a: {  	_ =	strace s6  }
0x9b: {  	s6 =	sld [smem:$0x3FFD];
	_ =	sdelay $0x3  }
0x9c: {  	_ =	strace s6  }
0x9d: {  	_ =	strace $0x8FFFFFFF  }
0x9e: {  	s19 =	sld [smem:$0x3FDB];
	_ =	sdelay $0x1  }
0x9f: {  	s7 =	simm.s32 $_scs_section_size  }
0xa0: {  	s8 =	simm.s32 $_size__tile_overlayer_lowered;
	s9 =	simm.s32 $_tile_overlayer_lowered  }
0xa1: {  	s22 =	simm.s32 $0x1BFF;
	s21 =	sshll.u32 s9, $0x1;
	s6 =	sadd.s32 s7, s19  }
0xa2: {  	s10 =	simm.s32 $0x0;
	s20 =	sshll.u32 s8, $0x1;
	s8 =	sadd.s32 s21, s6  }
0xa3: {  	[timem:s10], [sflag:s22] =	dma.local [hbm:s8], s20  }
0xa4: {  	_ =	swait.ge [sflag:s22], s20  }
0xa5: {  	s7 =	ssub.s32 $0x0, s20;
	[sflag:s22] =	ssyncset.done $0x0  }
0xa6: {  	[sflag:s22] =	ssyncadd.s32 s7;
	_ =	sdelay $0x1  }
0xa7: {  	s23 =	simm.s32 $0x1B8B  }
0xa8: {  	_ =	swait.ge [sflag:s23], $0x1  }
0xa9: {  	[sflag:s23] =	ssyncset.done $0x0  }
0xaa: {  	s25 =	simm.s32 $0x1B8E;
	s24 =	sld [smem:$0x3FFE];
	[sflag:s23] =	ssyncadd.s32 $0xFFFFFFFF  }
0xab: {  	s26 =	simm.s32 $execute0_lowered;
	[smem:$0x3FD2] =	sst s25  }
0xac: {  	s8 =	sshll.u32 s26, $0x1;
	_ =	strace $0x8000004C;
	[dreg:$0x1] =	wrdreg $0xFFFFFFFF  }
0xad: {  	s28 =	simm.s32 $_size_execute0_lowered;
	s6 =	sadd.s32 s6, s8;
	[dreg:$0x0] =	wrdreg $0x0  }
0xae: {  	s8 =	sshll.u32 s28, $0x1;
	[dreg:$0x2] =	wrdreg s6  }
0xaf: {  	[dreg:$0x3] =	wrdreg s8  }
0xb0: {  	[dreg:$0x4] =	wrdreg $0xC0  }
0xb1: {  	_ =	task [dreg:s10], $0x5FFFF  }
0xb2: {  	[dreg:$0x1] =	wrdreg $0xFFFFFFFF  }
0xb3: {  	[dreg:$0x0] =	wrdreg $0x60  }
0xb4: {  	[dreg:$0x2] =	wrdreg s18  }
0xb5: {  	[dreg:$0x3] =	wrdreg s24  }
0xb6: {  	[dreg:$0x4] =	wrdreg s17  }
0xb7: {  	[dreg:$0x5] =	wrdreg s15  }
0xb8: {  	[dreg:$0x6] =	wrdreg s16  }
0xb9: {  	[dreg:$0x7] =	wrdreg $0x90000  }
0xba: {  	[dreg:$0x8] =	wrdreg $0x9  }
0xbb: {  	_ =	task.clear_ibuf [dreg:s10], $0x9FFFF;
	_ =	strace $0x9000004C  }
0xbc: {  	s29 =	simm.s32 $0x9;
	_ =	strace $0x8000004E  }
0xbd: {  	_ =	swait.ge [sflag:s29], $0x1  }
0xbe: {  	[sflag:s29] =	ssyncadd.s32 $0xFFFFFFFF  }
0xbf: {  	_ =	strace $0x9000004E  }
0xc0: {  	_ =	sfence  }
0xc1: {  	s30 =	sld [smem:$0x0];
	_ =	sdelay $0x2  }
0xc2: {  	s31 =	sshll.u32 s1, $0xD;
	s1 =	sshrl.u32 s1, $0x2  }
0xc3: {  	s3 =	sand.u32 $0x4000, s31;
	s1 =	sadd.s32 s1, s30  }
0xc4: {  	s0 =	sor.u32 s3, s0;
	s1 =	sshll.u32 s1, $0x11  }
0xc5: {  	s0 =	sor.u32 s1, s0  }
0xc6: {  	s0 =	sadd.s32 $0x8F2B, s0  }
0xc7: {  	[sflag:s0] =	ssyncadd.remote.s32 $0x1  }
0xc8: {  	_ =	sfence.sel $0xFFFF  }
0xc9: {  	[dreg:$0x0] =	wrdreg $0xFFFFFFFF;
	(pc) =	sbr.abs _section_cstart, $3  }
0xca: {  	[dreg:$0x1] =	wrdreg $0xFFFFFFFF  }
0xcb: {  	_ =	task.clear_ibuf [dreg:s10], $0x2FFFF;
	_ =	strace $0x9FFFFFFF  }
0xcc: {  	(tm) =	ssettm $0x7FFFFFFF  }
0xcd: {  	_ =	shalt  }
tec
execute0_lowered:
.L_overlay_start_1:
0x0: {  	(tag) =	ssettag $0x1  }
0x1: {  	s0 =	rddreg [dreg:$0x0]  }
0x2: {  	s5 =	rddreg [dreg:$0x1]  }
0x3: {  	s10 =	rddreg [dreg:$0x2]  }
0x4: {  	s12 =	rddreg [dreg:$0x3]  }
0x5: {  	s1 =	srdreg.scid;
	s13 =	rddreg [dreg:$0x4]  }
0x6: {  	s3 =	rddreg [dreg:$0x5];
	s2 =	stileid.u32;
	s4 =	simm.s32 $0x0  }
0x7: {  	s20 =	simm.s32 $0x1;
	s21 =	simm.s32 $0x7D;
	s22 =	simm.s32 $0x5000  }
0x8: {  	s23 =	simm.s32 $0x2;
	s25 =	simm.s32 $0x1FC2;
	s11 =	smul.u32 $0x4F000, s2  }
0x9: {  	s6 =	sand.u32 $0x1, s1;
	s1 =	rddreg [dreg:$0x6];
	s28 =	smul.u32 $0x2780, s2  }
0xa: {  	[smem:$0x7FF] =	sst s4;
	s15 =	sadd.s32 $0x17200, s5;
	s19 =	smul.u32 $0x13C00, s2  }
0xb: {  	p0 =	seq.s32 s2, $0xF;
	s7 =	sshll.u32 s6, $0x4;
	_ =	strace $0x8000004D  }
0xc: {  	s26 =	ssub.s32 $0x2, s6;
	s17 =	smul.u32 $0x138800, s6;
	s24 =	sor.u32 s2, s7  }
0xd: {  	s9 =	sshrl.u32 s26, $0x1;
	s29 =	sshrl.u32 s11, $0x2;
	s14 =	smul.u32 $0x500, s24  }
0xe: {  	s16 =	ssub.s32 s26, s9;
	s7 =	sadd.s32 s29, s3;
	s18 =	smul.u32 $0xA, s24  }
0xf: {  	s30 =	sshrl.u32 s17, $0x3;
	s9 =	sadd.s32 $0x128400, s3;
	s17 =	sadd.s32 s19, s17  }
0x10: {  	p1 =	sgt.u32 s24, $0x1;
	s24 =	simm.s32 $0x50;
	s26 =	simm.s32 $0x0  }
0x11: {  	s11 =	sadd.s32 s15, s30;
	s31 =	sshrl.u32 s17, $0x3;
	s17 =	sshrl.u32 @p0 s9, $0x3  }
.Ltmp0:
0x12: {  	s19 =	sshrl.u32 @!p0 s7, $0x3;
	s8 =	sadd.s32 s14, s5;
	(pc) =	sbr.rel .LBB2_1-.Ltmp0, $4  }
0x13: {  	s11 =	sadd.s32 $0x25080, s11;
	s12 =	sadd.s32 s12, s18;
	s13 =	sadd.s32 s13, s14  }
0x14: {  	s14 =	sadd.s32 s15, s31;
	s15 =	smax.u32 s16, $0x1;
	s18 =	sshll.u32 @!p0 s2, $0x6  }
0x15: {  	s16 =	simm.s32 $0x2800;
	s5 =	sadd.s32 $0xD200, s8;
	s6 =	sadd.s32 $0x3200, s8  }
0x16: {  	s8 =	sadd.s32 s10, s28;
	s10 =	sadd.s32 $0x25080, s10;
	s18 =	sor.u32 @!p0 $0x1C02, s18  }
.LBB2_7:
0x17: {  	s28 =	sshrl.u32 s9, $0x3  }
0x18: {  	[hbm:s11], [sflag:s25] =	dma.local [spmem:s28], $0x2080  }
0x19: {  	_ =	swait.ge [sflag:s23], $0x2080  }
0x1a: {  	[sflag:s23] =	ssyncset.done $0x0  }
0x1b: {  	[sflag:s23] =	ssyncadd.s32 $0xFFFFDF80  }
.LBB2_8:
0x1c: {  	s26 =	sadd.s32 $0x1, s26  }
0x1d: {  	p2 =	sne.s32 s26, s15  }
.Ltmp1:
0x1e: {  	_ = 	snop;
	(pc) =	sbr.rel @!p2 .LBB2_9-.Ltmp1, $1  }
0x1f: {  	_ =	sdelay $0x3  }
.LBB2_1:
0x20: {  	[tilespmem:s4], [sflag:$0x1] =	stream.linear.gather [hbm4b:s5+s4], $0x2800, $0x38;
	[tilespmem:$0x1C880] =	vst v63  }
0x21: {  	s28 =	simm.s32 @p0 $0x1FC2  }
0x22: {  	[tilespmem:s16], [sflag:$0x1] =	stream.linear.gather [hbm4b:s6+s4], $0x2800, $0x38;
	[tilespmem:$0x1C880] =	vst v63  }
0x23: {  	[spmem:s17], [sflag:s28] =	dma.local @p0 [hbm:s10], $0x2080  }
0x24: {  	s28 =	simm.s32 @p0 $0x2  }
0x25: {  	_ =	swait.ge @p0 [sflag:s28], $0x2080  }
0x26: {  	[sflag:s28] =	ssyncset.done @p0 $0x0  }
0x27: {  	[sflag:s28] =	ssyncadd.s32 @p0 $0xFFFFDF80;
	s28 =	simm.s32 @!p0 $0x2  }
0x28: {  	[spmem:s19], [sflag:s18] =	dma.local @!p0 [hbm:s8], $0x2780  }
0x29: {  	_ =	swait.ge @!p0 [sflag:s28], $0x2780  }
0x2a: {  	[sflag:s28] =	ssyncset.done @!p0 $0x0  }
0x2b: {  	[sflag:s28] =	ssyncadd.s32 @!p0 $0xFFFFD880  }
0x2c: {  	_ =	swait.ge [sflag:s20], $0x2800  }
0x2d: {  	[sflag:s20] =	ssyncset.done $0x0  }
0x2e: {  	[sflag:s20] =	ssyncadd.s32 $0xFFFFD800  }
0x2f: {  	_ =	swait.ge [sflag:s20], $0x2800  }
0x30: {  	[sflag:s20] =	ssyncset.done $0x0  }
0x31: {  	[sflag:s20] =	ssyncadd.s32 $0xFFFFD800  }
0x32: {  	s28 =	simm.s32 $0x0;
	[bflag:$0x0] =	sbarrier.arrive $0xFFFF  }
0x33: {  	[tilespmem:s22], [sflag:$0x1] =	stream.indirect.gather [hbm4b:s0+s21], $0x80, s28, s21, $0xb8;
	[tilespmem:$0x1C880] =	vst v63  }
0x34: {  	_ =	swait.ge [sflag:s20], $0x3E80  }
0x35: {  	[sflag:s20] =	ssyncset.done $0x0  }
0x36: {  	s28 =	simm.s32 $0x2800;
	[sflag:s20] =	ssyncadd.s32 $0xFFFFC180  }
0x37: {  	[spmem:s3] =	stream.indirect.scatter.add.f32 [tilespmem:s22], [sflag:$0x2], $0x80, s28, s21, $0xb8;
	[tilespmem:$0x1C880] =	vst v63  }
0x38: {  	_ =	swait.ge [sflag:s23], $0x3E80  }
0x39: {  	s29 =	simm.s32 $0x400;
	s28 =	simm.s32 $0x200;
	[sflag:s23] =	ssyncset.done $0x0  }
.LBB2_2:
0x3a: {  	s30 =	sshra.s32 s28, $0x2  }
0x3b: {  	[sflag:s23] =	ssyncadd.s32 $0xFFFFC180;
	s28 =	smov.u32 s29;
	s31 =	sadd.s32 $0x200, s29  }
0x3c: {  	[tilespmem:s22], [sflag:$0x1] =	stream.indirect.gather [hbm4b:s0+s21], $0x80, s30, s21, $0xb8;
	[tilespmem:$0x1C880] =	vst v63  }
0x3d: {  	p2 =	sne.s32 s29, $0x9E00;
	_ =	swait.ge [sflag:s20], $0x3E80  }
.Ltmp2:
0x3e: {  	[sflag:s20] =	ssyncset.done $0x0;
	(pc) =	sbr.rel @p2 .LBB2_2-.Ltmp2, $4  }
0x3f: {  	s29 =	sadd.s32 $0x2800, s30;
	[sflag:s20] =	ssyncadd.s32 $0xFFFFC180  }
0x40: {  	[spmem:s3] =	stream.indirect.scatter.add.f32 [tilespmem:s22], [sflag:$0x2], $0x80, s29, s21, $0xb8;
	[tilespmem:$0x1C880] =	vst v63  }
0x41: {  	_ =	swait.ge [sflag:s23], $0x3E80  }
0x42: {  	s29 =	smov.u32 s31;
	[sflag:s23] =	ssyncset.done $0x0  }
0x43: {  	s28 =	sshra.s32 s28, $0x2;
	[sflag:s23] =	ssyncadd.s32 $0xFFFFC180  }
0x44: {  	[tilespmem:s22], [sflag:$0x1] =	stream.indirect.gather [hbm4b:s0+s21], $0x80, s28, s21, $0xb8;
	[tilespmem:$0x1C880] =	vst v63  }
0x45: {  	_ =	swait.ge [sflag:s20], $0x3E80  }
0x46: {  	[sflag:s20] =	ssyncset.done $0x0  }
.Ltmp3:
0x47: {  	s28 =	sadd.s32 $0x2800, s28;
	[sflag:s20] =	ssyncadd.s32 $0xFFFFC180;
	(pc) =	sbr.rel @p1 .LBB2_5-.Ltmp3, $4  }
0x48: {  	[spmem:s3] =	stream.indirect.scatter.add.f32 [tilespmem:s22], [sflag:$0x2], $0x80, s28, s21, $0xb8;
	[tilespmem:$0x1C880] =	vst v63  }
0x49: {  	_ =	swait.ge [sflag:s23], $0x3E80  }
0x4a: {  	[sflag:s23] =	ssyncset.done $0x0  }
0x4b: {  	[sflag:s23] =	ssyncadd.s32 $0xFFFFC180  }
0x4c: {  	[tilespmem:s4], [sflag:$0x2] =	stream.linear.gather [hbm4b:s12+s4], $0x50, $0x38;
	[tilespmem:$0x1C880] =	vst v63  }
0x4d: {  	_ =	swait.ge [sflag:s23], $0x50  }
0x4e: {  	[sflag:s23] =	ssyncset.done $0x0  }
0x4f: {  	[sflag:s23] =	ssyncadd.s32 $0xFFFFFFB0  }
0x50: {  	[tilespmem:s22], [sflag:$0x1] =	stream.indirect.gather [hbm4b:s0+s24], $0x80, s4, s24, $0xb8;
	[tilespmem:$0x1C880] =	vst v63  }
0x51: {  	_ =	swait.ge [sflag:s20], $0x2800  }
0x52: {  	[sflag:s20] =	ssyncset.done $0x0  }
0x53: {  	[sflag:s20] =	ssyncadd.s32 $0xFFFFD800  }
0x54: {  	[hbm4b:s13+s4] =	stream.linear.scatter [tilespmem:s22], [sflag:$0x2], $0x2800, $0x38;
	[tilespmem:$0x1C880] =	vst v63  }
.Ltmp4:
0x55: {  	_ =	swait.ge [sflag:s23], $0x2800;
	(pc) =	sbr.rel .LBB2_6-.Ltmp4, $3  }
0x56: {  	[sflag:s23] =	ssyncset.done $0x0  }
0x57: {  	[sflag:s23] =	ssyncadd.s32 $0xFFFFD800  }
0x58: {  	[bflag:$0x0] =	sbarrier.arrive $0xFFFF;
	_ =	sdelay $0x1  }
.LBB2_5:
.Ltmp5:
0x59: {  	(pc) =	sbr.rel @p0 .LBB2_7-.Ltmp5, $2  }
0x5a: {  	_ =	sdelay $0x1  }
0x5b: {  	[bflag:$0x0] =	sbarrier.arrive $0xFFFF;
	_ =	sdelay $0x1  }
.LBB2_6:
0x5c: {  	s28 =	sshll.u32 s2, $0x6  }
.Ltmp6:
0x5d: {  	s29 =	sshrl.u32 s7, $0x3;
	s28 =	sor.u32 $0x1C02, s28;
	(pc) =	sbr.rel .LBB2_8-.Ltmp6, $4  }
0x5e: {  	[hbm:s14], [sflag:s28] =	dma.local [spmem:s29], $0x2780  }
0x5f: {  	_ =	swait.ge [sflag:s23], $0x2780  }
0x60: {  	[sflag:s23] =	ssyncset.done $0x0  }
0x61: {  	[sflag:s23] =	ssyncadd.s32 $0xFFFFD880  }
.LBB2_9:
0x62: {  	_ =	sfence.sel $0x180000  }
0x63: {  	[bflag:$0x0] =	sbarrier.arrive $0xFFFF  }
0x64: {  	p0 =	sne.s32 s2, $0x0;
	_ =	strace $0x9000004D  }
0x65: {  	s0 =	sadd.s32 @!p0 $0x100000, s1;
	[bflag:$0x2] =	sbarrier.arrive $0xFFFF  }
0x66: {  	[sflag:s0] =	ssyncadd.tile.s32 @!p0 $0x1;
	_ =	shalt  }
.Lfunc_end2:
_tile_overlayer_lowered:
.L_overlay_start_2:
0x67: {  	(tag) =	ssettag $0x2  }
0x68: {  	s0 =	rddreg [dreg:$0x0];
	s2 =	stileid.u32  }
0x69: {  	s1 =	rddreg [dreg:$0x1];
	p0 =	sne.s32 s2, $0x0  }
0x6a: {  	s3 =	rddreg [dreg:$0x2];
	[bflag:$0x3] =	sbarrier.arrive $0xFFFF;
	s2 =	simm.s32 @!p0 $0x1C02  }
0x6b: {  	[timem:s3], [sflag:s2] =	dma.local @!p0 [hbm:s0], s1  }
0x6c: {  	s0 =	simm.s32 @!p0 $0x2  }
0x6d: {  	_ =	swait.ge @!p0 [sflag:s0], s1  }
0x6e: {  	s1 =	ssub.s32 @!p0 $0x0, s1;
	[sflag:s0] =	ssyncset.done @!p0 $0x0  }
0x6f: {  	[sflag:s0] =	ssyncadd.s32 @!p0 s1  }
0x70: {  	[bflag:$0x3] =	sbarrier.arrive $0xFFFF  }
0x71: {  	_ =	shalt  }

// kernel: kernel.19.cloned.1.call-start
scs
__scs_entry_jumppad:
0x0: {  	(pc) =	sbr.rel $0x88, $3  }
0x1: {  	(tag) =	ssettag $0x0;
	lr =	simm.s32 $0x1  }
0x2: {  	[smem:$0x3F91] =	sst lr;
	_ =	strace $0xD0000000  }
0x3: {  	_ = 	snop  }
0x4: {  	_ = 	snop  }
0x5: {  	_ = 	snop  }
0x6: {  	_ = 	snop  }
0x7: {  	_ = 	snop  }
__scs_overlays_trampoline_lowered:
0x8: {  	[smem:$0x3FA0] =	sst s0  }
0x9: {  	[smem:$0x3FA1] =	sst s1  }
0xa: {  	[smem:$0x3FA2] =	sst s2  }
0xb: {  	[smem:$0x3FA3] =	sst s3  }
0xc: {  	[smem:$0x3FA4] =	sst s4  }
0xd: {  	[smem:$0x3FA5] =	sst s5  }
0xe: {  	[smem:$0x3FA6] =	sst s6  }
0xf: {  	[smem:$0x3FA7] =	sst s7  }
0x10: {  	[smem:$0x3FA8] =	sst s8  }
0x11: {  	[smem:$0x3FA9] =	sst s9;
	s0 =	simm.s32 @!p0 $0x0  }
0x12: {  	s1 =	sld [smem:$0x3F8F];
	s0 =	simm.s32 @p0 $0x1  }
0x13: {  	[smem:$0x3FAA] =	sst s0;
	s0 =	simm.s32 @!p1 $0x0  }
0x14: {  	s2 =	sld [smem:$0x3F8E];
	s0 =	simm.s32 @p1 $0x1  }
0x15: {  	[smem:$0x3FAB] =	sst s0;
	s0 =	simm.s32 @!p2 $0x0  }
0x16: {  	s3 =	sld [smem:$0x3FDB];
	s0 =	simm.s32 @p2 $0x1  }
0x17: {  	s4 =	simm.s32 $0x1BF5;
	[smem:$0x3FAD] =	sst s0  }
0x18: {  	s0 =	sld [smem:$0x3F90];
	_ =	swait.ge [sflag:s4], $0x0  }
0x19: {  	s7 =	sld [smem:$0x3F91]  }
0x1a: {  	s8 =	sadd.s32 $0xFFFFE003, lr  }
0x1b: {  	s9 =	sadd.s32 $0xFFFFFEF7, lr;
	s5 =	simm.s32 $0xFFFFFFFF;
	p2 =	slt.u32 s8, $0xFFFFF086  }
0x1c: {  	p1 =	slt.u32 s9, $0xF7A;
	s5 =	simm.s32 @!p2 $0x0  }
0x1d: {  	s5 =	simm.s32 @p1 $0x1;
	p0 =	seq.s32 s7, s2  }
0x1e: {  	s7 =	smul.u32 @!p0 $0xF7A, s2;
	p2 =	seq.s32 @!p0 s5, $0x0  }
0x1f: {  	s9 =	smul.u32 $0xF7A, s1;
	s8 =	simm.s32 @!p0 $0x1BF5;
	p2 =	por !p2, p0  }
0x20: {  	[sflag:s8] =	ssyncset.s32 @!p0 $0xFFFFF086;
	s6 =	sadd.s32 @!p0 s3, s7;
	s7 =	simm.s32 @!p0 $0x108  }
0x21: {  	s3 =	sadd.s32 s3, s9;
	s6 =	sadd.s32 @!p0 $0x88, s6;
	s7 =	simm.s32 @p2 $0x1082  }
0x22: {  	[simem:s7], [sflag:s8] =	dma.local @!p0 [hbm:s6], $0xF7A  }
0x23: {  	s9 =	sor.u32 $0xD0000000, s2;
	s6 =	simm.s32 $0x108;
	_ =	swait.ge @!p0 [sflag:s8], $0x0  }
0x24: {  	s3 =	sadd.s32 $0x88, s3;
	s6 =	simm.s32 @!p1 $0x1082;
	[sflag:s4] =	ssyncset.s32 $0xFFFFF086  }
0x25: {  	[simem:s6], [sflag:s4] =	dma.local [hbm:s3], $0xF7A  }
0x26: {  	[smem:$0x3F91] =	sst s1;
	(tag) =	ssettag s2;
	_ =	strace s9  }
0x27: {  	s1 =	sld [smem:$0x3FA1]  }
0x28: {  	s2 =	sld [smem:$0x3FA2]  }
0x29: {  	s4 =	sld [smem:$0x3FA4]  }
0x2a: {  	p0 =	seq.s32 s5, $0x0;
	s5 =	sld [smem:$0x3FA5]  }
0x2b: {  	s6 =	sld [smem:$0x3FA6]  }
0x2c: {  	s7 =	sld [smem:$0x3FA7]  }
0x2d: {  	s3 =	simm.s32 $0x108;
	s8 =	sld [smem:$0x3FA8]  }
0x2e: {  	s3 =	simm.s32 @!p0 $0x1082;
	s9 =	sld [smem:$0x3FA9]  }
0x2f: {  	lr =	sadd.s32 s0, s3;
	s0 =	sld [smem:$0x3FA0]  }
0x30: {  	s3 =	sld [smem:$0x3FA3]  }
0x31: {  	[smem:$0x3FAC] =	sst s10  }
0x32: {  	s10 =	sld [smem:$0x3FAA];
	_ =	sdelay $0x3  }
0x33: {  	p0 =	seq.s32 s10, $0x1;
	s10 =	sld [smem:$0x3FAC];
	_ =	sdelay $0x3  }
0x34: {  	[smem:$0x3FAC] =	sst s10  }
0x35: {  	s10 =	sld [smem:$0x3FAB];
	_ =	sdelay $0x3  }
0x36: {  	p1 =	seq.s32 s10, $0x1;
	s10 =	sld [smem:$0x3FAC];
	_ =	sdelay $0x3  }
0x37: {  	[smem:$0x3FAC] =	sst s10  }
0x38: {  	s10 =	sld [smem:$0x3FAD]  }
0x39: {  	_ = 	snop;
	(pc) =	sbr.ind lr, $3  }
0x3a: {  	_ = 	snop  }
0x3b: {  	_ = 	snop  }
0x3c: {  	p2 =	seq.s32 s10, $0x1;
	s10 =	sld [smem:$0x3FAC]  }
0x3d: {  	_ =	shalt  }
0x3e: {  	_ =	shalt  }
0x3f: {  	_ =	shalt  }
0x40: {  	_ =	shalt  }
0x41: {  	_ =	shalt  }
0x42: {  	_ =	shalt  }
0x43: {  	_ =	shalt  }
0x44: {  	_ =	shalt  }
0x45: {  	_ =	shalt  }
0x46: {  	_ =	shalt  }
0x47: {  	_ =	shalt  }
0x48: {  	_ =	shalt  }
0x49: {  	_ =	shalt  }
0x4a: {  	_ =	shalt  }
0x4b: {  	_ =	shalt  }
0x4c: {  	_ =	shalt  }
0x4d: {  	_ =	shalt  }
0x4e: {  	_ =	shalt  }
0x4f: {  	_ =	shalt  }
0x50: {  	_ =	shalt  }
0x51: {  	_ =	shalt  }
0x52: {  	_ =	shalt  }
0x53: {  	_ =	shalt  }
0x54: {  	_ =	shalt  }
0x55: {  	_ =	shalt  }
0x56: {  	_ =	shalt  }
0x57: {  	_ =	shalt  }
0x58: {  	_ =	shalt  }
0x59: {  	_ =	shalt  }
0x5a: {  	_ =	shalt  }
0x5b: {  	_ =	shalt  }
0x5c: {  	_ =	shalt  }
0x5d: {  	_ =	shalt  }
0x5e: {  	_ =	shalt  }
0x5f: {  	_ =	shalt  }
0x60: {  	_ =	shalt  }
0x61: {  	_ =	shalt  }
0x62: {  	_ =	shalt  }
0x63: {  	_ =	shalt  }
0x64: {  	_ =	shalt  }
0x65: {  	_ =	shalt  }
0x66: {  	_ =	shalt  }
0x67: {  	_ =	shalt  }
0x68: {  	_ =	shalt  }
0x69: {  	_ =	shalt  }
0x6a: {  	_ =	shalt  }
0x6b: {  	_ =	shalt  }
0x6c: {  	_ =	shalt  }
0x6d: {  	_ =	shalt  }
0x6e: {  	_ =	shalt  }
0x6f: {  	_ =	shalt  }
0x70: {  	_ =	shalt  }
0x71: {  	_ =	shalt  }
0x72: {  	_ =	shalt  }
0x73: {  	_ =	shalt  }
0x74: {  	_ =	shalt  }
0x75: {  	_ =	shalt  }
0x76: {  	_ =	shalt  }
0x77: {  	_ =	shalt  }
0x78: {  	_ =	shalt  }
0x79: {  	_ =	shalt  }
0x7a: {  	_ =	shalt  }
0x7b: {  	_ =	shalt  }
0x7c: {  	_ =	shalt  }
0x7d: {  	_ =	shalt  }
0x7e: {  	_ =	shalt  }
0x7f: {  	_ =	shalt  }
0x80: {  	_ =	shalt  }
0x81: {  	_ =	shalt  }
0x82: {  	_ =	shalt  }
0x83: {  	_ =	shalt  }
0x84: {  	_ =	shalt  }
0x85: {  	_ =	shalt  }
0x86: {  	_ =	shalt  }
0x87: {  	_ =	shalt  }
.Lfunc_end0:
.L_simem_size_0:
called_computation.3_lowered:
.L_overlay_start_0:
0x88: {  	s2 =	sld [smem:$0x3FD9]  }
0x89: {  	s3 =	sld [smem:$0x3FFE];
	_ =	sdelay $0x1  }
0x8a: {  	s1 =	srdreg.scid  }
0x8b: {  	s0 =	sand.u32 $0x1, s1  }
0x8c: {  	s14 =	sshll.u32 s0, $0xA;
	s2 =	sadd.s32 s3, s2  }
0x8d: {  	s2 =	sadd.s32 s2, s14  }
0x8e: {  	[smem:$0x3FB8] =	sst s2  }
0x8f: {  	_ = 	snop  }
0x90: {  	s2 =	sld [smem:$0x3FD0];
	_ =	sdelay $0x2  }
0x91: {  	s15 =	simm.s32 $0xA;
	s4 =	simm.s32 $0x10  }
0x92: {  	[smem:s4], [sflag:s15] =	dma.local [hbm:s2], $0x1  }
0x93: {  	_ =	swait.eq [sflag:s15], $0x1  }
0x94: {  	[sflag:s15] =	ssyncset.done $0x0  }
0x95: {  	s16 =	sld [smem:$0x11];
	[sflag:s15] =	ssyncadd.s32 $0xFFFFFFFF  }
0x96: {  	s17 =	sld [smem:$0x12];
	(tm) =	ssettm $0x1  }
0x97: {  	s18 =	sld [smem:$0x3FFB];
	_ =	sdelay $0x3  }
0x98: {  	_ =	strace s18  }
0x99: {  	s4 =	sld [smem:$0x3FFC];
	_ =	sdelay $0x3  }
0x9a: {  	_ =	strace s4  }
0x9b: {  	s4 =	sld [smem:$0x3FFD];
	_ =	sdelay $0x3  }
0x9c: {  	_ =	strace s4  }
0x9d: {  	_ =	strace $0x8FFFFFFF  }
0x9e: {  	s19 =	sld [smem:$0x3FDB];
	_ =	sdelay $0x1  }
0x9f: {  	s5 =	simm.s32 $_scs_section_size  }
0xa0: {  	s6 =	simm.s32 $_size__tile_overlayer_lowered;
	s7 =	simm.s32 $_tile_overlayer_lowered  }
0xa1: {  	s22 =	simm.s32 $0x1BFF;
	s21 =	sshll.u32 s7, $0x1;
	s4 =	sadd.s32 s5, s19  }
0xa2: {  	s8 =	simm.s32 $0x0;
	s20 =	sshll.u32 s6, $0x1;
	s6 =	sadd.s32 s21, s4  }
0xa3: {  	[timem:s8], [sflag:s22] =	dma.local [hbm:s6], s20  }
0xa4: {  	_ =	swait.ge [sflag:s22], s20  }
0xa5: {  	s5 =	ssub.s32 $0x0, s20;
	[sflag:s22] =	ssyncset.done $0x0  }
0xa6: {  	[sflag:s22] =	ssyncadd.s32 s5;
	_ =	sdelay $0x1  }
0xa7: {  	s23 =	simm.s32 $0x1B8B  }
0xa8: {  	_ =	swait.ge [sflag:s23], $0x1  }
0xa9: {  	[sflag:s23] =	ssyncset.done $0x0  }
0xaa: {  	s25 =	simm.s32 $0x1B8E;
	s24 =	sld [smem:$0x3FFE];
	[sflag:s23] =	ssyncadd.s32 $0xFFFFFFFF  }
0xab: {  	s26 =	simm.s32 $execute0_lowered;
	[smem:$0x3FD2] =	sst s25  }
0xac: {  	s6 =	sshll.u32 s26, $0x1;
	_ =	strace $0x8000004F;
	[dreg:$0x1] =	wrdreg $0xFFFFFFFF  }
0xad: {  	s28 =	simm.s32 $_size_execute0_lowered;
	s4 =	sadd.s32 s4, s6;
	[dreg:$0x0] =	wrdreg $0x0  }
0xae: {  	s6 =	sshll.u32 s28, $0x1;
	[dreg:$0x2] =	wrdreg s4  }
0xaf: {  	[dreg:$0x3] =	wrdreg s6  }
0xb0: {  	[dreg:$0x4] =	wrdreg $0xC0  }
0xb1: {  	_ =	task [dreg:s8], $0x5FFFF  }
0xb2: {  	[dreg:$0x1] =	wrdreg $0xFFFFFFFF  }
0xb3: {  	[dreg:$0x0] =	wrdreg $0x60  }
0xb4: {  	[dreg:$0x2] =	wrdreg s17  }
0xb5: {  	[dreg:$0x3] =	wrdreg s24  }
0xb6: {  	[dreg:$0x4] =	wrdreg s16  }
0xb7: {  	[dreg:$0x5] =	wrdreg $0x90000  }
0xb8: {  	[dreg:$0x6] =	wrdreg $0x9  }
0xb9: {  	_ =	task.clear_ibuf [dreg:s8], $0x7FFFF;
	_ =	strace $0x9000004F  }
0xba: {  	s29 =	simm.s32 $0x9;
	_ =	strace $0x80000051  }
0xbb: {  	_ =	swait.ge [sflag:s29], $0x1  }
0xbc: {  	[sflag:s29] =	ssyncadd.s32 $0xFFFFFFFF  }
0xbd: {  	_ =	strace $0x90000051  }
0xbe: {  	_ =	sfence  }
0xbf: {  	s30 =	sld [smem:$0x0];
	_ =	sdelay $0x2  }
0xc0: {  	s31 =	sshll.u32 s1, $0xD;
	s1 =	sshrl.u32 s1, $0x2  }
0xc1: {  	s3 =	sand.u32 $0x4000, s31;
	s1 =	sadd.s32 s1, s30  }
0xc2: {  	s0 =	sor.u32 s3, s0;
	s1 =	sshll.u32 s1, $0x11  }
0xc3: {  	s0 =	sor.u32 s1, s0  }
0xc4: {  	s0 =	sadd.s32 $0x8F2B, s0  }
0xc5: {  	[sflag:s0] =	ssyncadd.remote.s32 $0x1  }
0xc6: {  	_ =	sfence.sel $0xFFFF  }
0xc7: {  	[dreg:$0x0] =	wrdreg $0xFFFFFFFF;
	(pc) =	sbr.abs _section_cstart, $3  }
0xc8: {  	[dreg:$0x1] =	wrdreg $0xFFFFFFFF  }
0xc9: {  	_ =	task.clear_ibuf [dreg:s8], $0x2FFFF;
	_ =	strace $0x9FFFFFFF  }
0xca: {  	(tm) =	ssettm $0x7FFFFFFF  }
0xcb: {  	_ =	shalt  }
tec
execute0_lowered:
.L_overlay_start_1:
0x0: {  	(tag) =	ssettag $0x1  }
0x1: {  	s0 =	rddreg [dreg:$0x0]  }
0x2: {  	s5 =	rddreg [dreg:$0x1]  }
0x3: {  	s1 =	srdreg.scid;
	s8 =	rddreg [dreg:$0x2]  }
0x4: {  	s3 =	rddreg [dreg:$0x3];
	s2 =	stileid.u32  }
0x5: {  	s4 =	simm.s32 $0x0;
	s17 =	simm.s32 $0x7D;
	s18 =	simm.s32 $0x5000  }
0x6: {  	s19 =	simm.s32 $0x2;
	s20 =	simm.s32 $0x0;
	s9 =	smul.u32 $0x4F000, s2  }
0x7: {  	s6 =	sand.u32 $0x1, s1;
	s1 =	rddreg [dreg:$0x4];
	s11 =	smul.u32 $0x2780, s2  }
0x8: {  	[smem:$0x7FF] =	sst s4;
	s12 =	sadd.s32 $0x3200, s5;
	s29 =	smul.u32 $0x13C00, s2  }
0x9: {  	s16 =	sadd.s32 $0x128400, s3;
	p0 =	seq.s32 s2, $0xF;
	s7 =	sshll.u32 s6, $0x4  }
0xa: {  	_ =	strace $0x80000050;
	s10 =	ssub.s32 $0x2, s6;
	s13 =	smul.u32 $0x138800, s6  }
0xb: {  	s7 =	sor.u32 s2, s7;
	s28 =	sshrl.u32 s10, $0x1;
	s9 =	sshrl.u32 s9, $0x2  }
0xc: {  	s7 =	smul.u32 $0x500, s7;
	s14 =	ssub.s32 s10, s28;
	s15 =	sadd.s32 s9, s3  }
0xd: {  	s30 =	sadd.s32 s29, s13;
	s31 =	sshrl.u32 s13, $0x3;
	s13 =	sshrl.u32 @p0 s16, $0x3  }
0xe: {  	s16 =	simm.s32 $0x1;
	s9 =	sshrl.u32 s30, $0x3;
	s10 =	sadd.s32 s12, s31  }
0xf: {  	s15 =	sshrl.u32 @!p0 s15, $0x3;
	s7 =	sadd.s32 s7, s5;
	s9 =	sadd.s32 s12, s9  }
0x10: {  	s10 =	sadd.s32 $0x25080, s10;
	s5 =	sadd.s32 $0x6F400, s7;
	s6 =	sadd.s32 $0x65400, s7  }
0x11: {  	s7 =	sadd.s32 s8, s11;
	s11 =	smax.u32 s14, $0x1;
	s14 =	sshll.u32 @!p0 s2, $0x6  }
0x12: {  	s12 =	simm.s32 $0x2800;
	s8 =	sadd.s32 $0x25080, s8;
	s14 =	sor.u32 @!p0 $0x1C02, s14  }
.LBB2_1:
0x13: {  	[tilespmem:s4], [sflag:$0x1] =	stream.linear.gather [hbm4b:s5+s4], $0x2800, $0x38;
	[tilespmem:$0x1C880] =	vst v63  }
0x14: {  	s21 =	simm.s32 @p0 $0x1FC2  }
0x15: {  	[tilespmem:s12], [sflag:$0x1] =	stream.linear.gather [hbm4b:s6+s4], $0x2800, $0x38;
	[tilespmem:$0x1C880] =	vst v63  }
0x16: {  	[spmem:s13], [sflag:s21] =	dma.local @p0 [hbm:s8], $0x2080  }
0x17: {  	s21 =	simm.s32 @p0 $0x2  }
0x18: {  	_ =	swait.ge @p0 [sflag:s21], $0x2080  }
0x19: {  	[sflag:s21] =	ssyncset.done @p0 $0x0  }
0x1a: {  	[sflag:s21] =	ssyncadd.s32 @p0 $0xFFFFDF80;
	s21 =	simm.s32 @!p0 $0x2  }
0x1b: {  	[spmem:s15], [sflag:s14] =	dma.local @!p0 [hbm:s7], $0x2780  }
0x1c: {  	_ =	swait.ge @!p0 [sflag:s21], $0x2780  }
0x1d: {  	[sflag:s21] =	ssyncset.done @!p0 $0x0  }
0x1e: {  	[sflag:s21] =	ssyncadd.s32 @!p0 $0xFFFFD880  }
0x1f: {  	_ =	swait.ge [sflag:s16], $0x2800  }
0x20: {  	[sflag:s16] =	ssyncset.done $0x0  }
0x21: {  	[sflag:s16] =	ssyncadd.s32 $0xFFFFD800  }
0x22: {  	_ =	swait.ge [sflag:s16], $0x2800  }
0x23: {  	[sflag:s16] =	ssyncset.done $0x0  }
0x24: {  	[sflag:s16] =	ssyncadd.s32 $0xFFFFD800  }
0x25: {  	s30 =	simm.s32 $0x0;
	[bflag:$0x0] =	sbarrier.arrive $0xFFFF  }
0x26: {  	[tilespmem:s18], [sflag:$0x1] =	stream.indirect.gather [hbm4b:s0+s17], $0x80, s30, s17, $0xb8;
	[tilespmem:$0x1C880] =	vst v63  }
0x27: {  	_ =	swait.ge [sflag:s16], $0x3E80  }
0x28: {  	[sflag:s16] =	ssyncset.done $0x0  }
0x29: {  	s31 =	simm.s32 $0x2800;
	[sflag:s16] =	ssyncadd.s32 $0xFFFFC180  }
0x2a: {  	[spmem:s3] =	stream.indirect.scatter.add.f32 [tilespmem:s18], [sflag:$0x2], $0x80, s31, s17, $0xb8;
	[tilespmem:$0x1C880] =	vst v63  }
0x2b: {  	_ =	swait.ge [sflag:s19], $0x3E80  }
0x2c: {  	s22 =	simm.s32 $0x400;
	s21 =	simm.s32 $0x200;
	[sflag:s19] =	ssyncset.done $0x0  }
.LBB2_2:
0x2d: {  	s23 =	sshra.s32 s21, $0x2  }
0x2e: {  	[sflag:s19] =	ssyncadd.s32 $0xFFFFC180;
	s21 =	smov.u32 s22;
	s24 =	sadd.s32 $0x200, s22  }
0x2f: {  	[tilespmem:s18], [sflag:$0x1] =	stream.indirect.gather [hbm4b:s0+s17], $0x80, s23, s17, $0xb8;
	[tilespmem:$0x1C880] =	vst v63  }
0x30: {  	p1 =	sne.s32 s22, $0x9E00;
	_ =	swait.ge [sflag:s16], $0x3E80  }
.Ltmp0:
0x31: {  	[sflag:s16] =	ssyncset.done $0x0;
	(pc) =	sbr.rel @p1 .LBB2_2-.Ltmp0, $4  }
0x32: {  	s22 =	sadd.s32 $0x2800, s23;
	[sflag:s16] =	ssyncadd.s32 $0xFFFFC180  }
0x33: {  	[spmem:s3] =	stream.indirect.scatter.add.f32 [tilespmem:s18], [sflag:$0x2], $0x80, s22, s17, $0xb8;
	[tilespmem:$0x1C880] =	vst v63  }
0x34: {  	_ =	swait.ge [sflag:s19], $0x3E80  }
0x35: {  	s22 =	smov.u32 s24;
	[sflag:s19] =	ssyncset.done $0x0  }
0x36: {  	s21 =	sshra.s32 s21, $0x2;
	[sflag:s19] =	ssyncadd.s32 $0xFFFFC180  }
0x37: {  	[tilespmem:s18], [sflag:$0x1] =	stream.indirect.gather [hbm4b:s0+s17], $0x80, s21, s17, $0xb8;
	[tilespmem:$0x1C880] =	vst v63  }
0x38: {  	_ =	swait.ge [sflag:s16], $0x3E80  }
0x39: {  	[sflag:s16] =	ssyncset.done $0x0  }
0x3a: {  	s21 =	sadd.s32 $0x2800, s21;
	[sflag:s16] =	ssyncadd.s32 $0xFFFFC180  }
0x3b: {  	[spmem:s3] =	stream.indirect.scatter.add.f32 [tilespmem:s18], [sflag:$0x2], $0x80, s21, s17, $0xb8;
	[tilespmem:$0x1C880] =	vst v63  }
0x3c: {  	_ =	swait.ge [sflag:s19], $0x3E80  }
0x3d: {  	[sflag:s19] =	ssyncset.done $0x0  }
0x3e: {  	[sflag:s19] =	ssyncadd.s32 $0xFFFFC180  }
0x3f: {  	s21 =	simm.s32 @p0 $0x1FC2;
	[bflag:$0x0] =	sbarrier.arrive $0xFFFF  }
0x40: {  	[hbm:s10], [sflag:s21] =	dma.local @p0 [spmem:s13], $0x2080  }
0x41: {  	s21 =	simm.s32 @p0 $0x2  }
0x42: {  	s20 =	sadd.s32 $0x1, s20;
	_ =	swait.ge @p0 [sflag:s21], $0x2080  }
0x43: {  	p1 =	sne.s32 s20, s11;
	[sflag:s21] =	ssyncset.done @p0 $0x0  }
.Ltmp1:
0x44: {  	[sflag:s21] =	ssyncadd.s32 @p0 $0xFFFFDF80;
	s21 =	simm.s32 @!p0 $0x2;
	(pc) =	sbr.rel @p1 .LBB2_1-.Ltmp1, $4  }
0x45: {  	[hbm:s9], [sflag:s14] =	dma.local @!p0 [spmem:s15], $0x2780  }
0x46: {  	_ =	swait.ge @!p0 [sflag:s21], $0x2780  }
0x47: {  	[sflag:s21] =	ssyncset.done @!p0 $0x0  }
0x48: {  	[sflag:s21] =	ssyncadd.s32 @!p0 $0xFFFFD880  }
0x49: {  	_ =	sfence.sel $0x180000  }
0x4a: {  	[bflag:$0x0] =	sbarrier.arrive $0xFFFF  }
0x4b: {  	p0 =	sne.s32 s2, $0x0;
	_ =	strace $0x90000050  }
0x4c: {  	s0 =	sadd.s32 @!p0 $0x100000, s1;
	[bflag:$0x2] =	sbarrier.arrive $0xFFFF  }
0x4d: {  	[sflag:s0] =	ssyncadd.tile.s32 @!p0 $0x1;
	_ =	shalt  }
.Lfunc_end2:
_tile_overlayer_lowered:
.L_overlay_start_2:
0x4e: {  	(tag) =	ssettag $0x2  }
0x4f: {  	s0 =	rddreg [dreg:$0x0];
	s2 =	stileid.u32  }
0x50: {  	s1 =	rddreg [dreg:$0x1];
	p0 =	sne.s32 s2, $0x0  }
0x51: {  	s3 =	rddreg [dreg:$0x2];
	[bflag:$0x3] =	sbarrier.arrive $0xFFFF;
	s2 =	simm.s32 @!p0 $0x1C02  }
0x52: {  	[timem:s3], [sflag:s2] =	dma.local @!p0 [hbm:s0], s1  }
0x53: {  	s0 =	simm.s32 @!p0 $0x2  }
0x54: {  	_ =	swait.ge @!p0 [sflag:s0], s1  }
0x55: {  	s1 =	ssub.s32 @!p0 $0x0, s1;
	[sflag:s0] =	ssyncset.done @!p0 $0x0  }
0x56: {  	[sflag:s0] =	ssyncadd.s32 @!p0 s1  }
0x57: {  	[bflag:$0x3] =	sbarrier.arrive $0xFFFF  }
0x58: {  	_ =	shalt  }

</sc_bundles>
